<compile_context>
chip_gen: v7x
topology: tpu7x:2x2x1
jax: 0.10.2.dev20260603
libtpu: 0.0.44.dev20260713+nightly
codegen_flags: <defaults>
</compile_context>

<pallas_src>
import jax
import jax.numpy as jnp
from jax import lax
from jax.experimental import pallas as pl
from jax.experimental.pallas import tpu as pltpu
from jax.experimental.pallas import tpu_sc as plsc

H = 512
W = 512
NC = 1
NS = 16
L = 16
NW = NC * NS
RPW = H // NW
NCH = W // L
NSTAGE = 2
RPS = RPW // NSTAGE


def _sc_body(point_hbm, mask_hbm, out_hbm, pv, mask_v, acc_v, *sems):
    cid = lax.axis_index("c")
    sid = lax.axis_index("s")
    wid = sid * NC + cid
    base = wid * RPW

    copies = []
    for st in range(NSTAGE):
        cp = pltpu.make_async_copy(
            mask_hbm.at[pl.ds((base + st * RPS) * W, RPS * W)],
            mask_v.at[pl.ds(st * RPS * W, RPS * W)], sems[st])
        cp.start()
        copies.append(cp)

    pltpu.sync_copy(point_hbm, pv.at[pl.ds(0, 2)])
    pvec = pv[...]
    py_vec = lax.broadcast(pvec[0], (L,))
    px_vec = lax.broadcast(pvec[1], (L,))

    dx2 = []
    for c in range(NCH):
        xf = lax.iota(jnp.int32, L).astype(jnp.float32) + jnp.float32(c * L)
        dx = xf - px_vec
        dx2.append(dx * dx)

    inf_vec = jnp.full((L,), jnp.inf, dtype=jnp.float32)

    def row_step(y, acc):
        yf = (base + y).astype(jnp.float32)
        dyv = lax.broadcast(yf, (L,)) - py_vec
        dy2v = dyv * dyv
        r = [inf_vec] * 4
        for c in range(NCH):
            m = mask_v[pl.ds(y * W + c * L, L)]
            r[c % 4] = jnp.minimum(
                r[c % 4], jnp.where(m > 0.0, dx2[c], inf_vec))
        rowmin = jnp.minimum(jnp.minimum(r[0], r[1]),
                             jnp.minimum(r[2], r[3]))
        return jnp.minimum(acc, rowmin + dy2v)

    acc = inf_vec
    for st in range(NSTAGE):
        copies[st].wait()
        acc = plsc.parallel_loop(
            st * RPS, (st + 1) * RPS, unroll=4, carry=acc)(row_step)

    acc_v[...] = acc
    pltpu.sync_copy(acc_v, out_hbm.at[wid])


@jax.jit
def _point_to_mask_min_d2(point, mask):
    mesh = plsc.VectorSubcoreMesh(
        core_axis_name="c", subcore_axis_name="s",
        num_cores=NC, num_subcores=NS)
    f = pl.kernel(
        _sc_body,
        out_type=jax.ShapeDtypeStruct((NW, L), jnp.float32),
        mesh=mesh,
        scratch_types=(
            [
                pltpu.VMEM((L,), jnp.float32),
                pltpu.VMEM((RPW * W,), jnp.float32),
                pltpu.VMEM((L,), jnp.float32),
            ]
            + [pltpu.SemaphoreType.DMA] * NSTAGE
        ),
    )
    return f(point, mask)


def kernel(point, mask, epoch):
    partial = _point_to_mask_min_d2(point.astype(jnp.float32), mask.reshape(-1))
    return jnp.sqrt(jnp.min(partial))

# --- scband reference (transcript-rebuilt; emitter-appended) ---
"""Pipeline reference for scband-point-to-mask-loss-70789650973076 (READ-ONLY COPY).

The authoritative reference and input builder live on the scoring server;
editing this copy changes nothing except your own understanding.
"""

import jax, jax.numpy as jnp
import numpy as np

H = 512
W = 512

def setup_inputs(seed: int = 0) -> dict:
    key = jax.random.key(seed)
    k1, k2 = jax.random.split(key)
    # point (y, x) as a float32[2] tensor, coordinates within the mask extent
    point = jax.random.uniform(k1, (2,), dtype=jnp.float32) * float(H)
    # binary segmentation mask of shape (1, H, W)
    mask = jax.random.randint(k2, (1, H, W), 0, 2).astype(jnp.float32)
    epoch = 1
    return {"point": point, "mask": mask, "epoch": epoch}

def reference(point, mask, epoch):
    # mask: (1, H, W) -> (H, W)
    mask_2d = mask[0]
    h, w = mask_2d.shape
    # All pixel coordinates (equivalent to torch.nonzero coords, but dense +
    # masked with +inf so shapes are static / jit-friendly)
    ys = jnp.arange(h, dtype=jnp.float32)
    xs = jnp.arange(w, dtype=jnp.float32)
    yy, xx = jnp.meshgrid(ys, xs, indexing="ij")
    coords = jnp.stack([yy.reshape(-1), xx.reshape(-1)], axis=1)  # (H*W, 2)
    # distances = ||ones_coords - point||_2, restricted to pixels where mask==1
    diffs = coords - point[None, :]
    distances = jnp.sqrt(jnp.sum(diffs * diffs, axis=1))
    distances = jnp.where(mask_2d.reshape(-1) > 0, distances, jnp.inf)
    min_distance = jnp.min(distances)
    loss = min_distance
    return loss

if __name__ == "__main__":
    import jax
    _d = setup_inputs()
    print(jax.jit(kernel)(*tuple(_d.values())))

</pallas_src>

<mosaic_0001>
#map = affine_map<(d0, d1) -> (0)>
#map1 = affine_map<(d0, d1) -> (0, 0)>
module attributes {stable_mosaic.version = 14 : i64} {
  func.func @_sc_body(%arg0: i32, %arg1: i32, %arg2: memref<2xf32, #tpu.memory_space<hbm>>, %arg3: memref<262144xf32, #tpu.memory_space<hbm>>, %arg4: memref<16x16xf32, #tpu.memory_space<hbm>>, %arg5: memref<16xf32, #tpu.memory_space<vmem>>, %arg6: memref<16384xf32, #tpu.memory_space<vmem>>, %arg7: memref<16xf32, #tpu.memory_space<vmem>>, %arg8: memref<!tpu.dma_semaphore, #tpu.memory_space<semaphore_mem>>, %arg9: memref<!tpu.dma_semaphore, #tpu.memory_space<semaphore_mem>>) attributes {dimension_semantics = [#tpu.dimension_semantics<core_parallel>, #tpu.dimension_semantics<subcore_parallel>], iteration_bounds = array<i64: 1, 16>, scalar_prefetch = 0 : i64, scratch_operands = 5 : i64, tpu.core_type = #tpu.core_type<sc_vector_subcore>, window_params = [{transform_indices = #map}, {transform_indices = #map}, {transform_indices = #map1}]} {
    %mul3A = arith.constant 1 : i32
    %mul3A_0 = arith.muli %arg1, %mul3A : i32
    %add3A = arith.addi %mul3A_0, %arg0 : i32
    %mul3A_1 = arith.constant 32 : i32
    %mul3A_2 = arith.muli %add3A, %mul3A_1 : i32
    %add3A_3 = arith.constant 0 : i32
    %add3A_4 = arith.addi %mul3A_2, %add3A_3 : i32
    %mul3A_5 = arith.constant 512 : i32
    %mul3A_6 = arith.muli %add3A_4, %mul3A_5 : i32
    %dma_start3A = arith.constant 0 : i32
    %dma_start3A_7 = tpu.memref_slice %arg6[%dma_start3A] : memref<16384xf32, #tpu.memory_space<vmem>> -> memref<8192xf32, #tpu.memory_space<vmem>>
    %dma_start3A_8 = tpu.memref_slice %arg3[%mul3A_6] : memref<262144xf32, #tpu.memory_space<hbm>> -> memref<8192xf32, #tpu.memory_space<hbm>>
    %dma_start3A_9 = arith.constant 0 : i32
    %dma_start3A_10 = tpu.memref_slice %arg6[%dma_start3A_9] : memref<16384xf32, #tpu.memory_space<vmem>> -> memref<8192xf32, #tpu.memory_space<vmem>>
    %dma_start3A_11 = tpu.memref_slice %arg3[%mul3A_6] : memref<262144xf32, #tpu.memory_space<hbm>> -> memref<8192xf32, #tpu.memory_space<hbm>>
    tpu.enqueue_dma source(%dma_start3A_11 : memref<8192xf32, #tpu.memory_space<hbm>>) target(%dma_start3A_10 : memref<8192xf32, #tpu.memory_space<vmem>>) target_semaphore(%arg8 : memref<!tpu.dma_semaphore, #tpu.memory_space<semaphore_mem>>)
    %add3A_12 = arith.constant 16 : i32
    %add3A_13 = arith.addi %mul3A_2, %add3A_12 : i32
    %mul3A_14 = arith.constant 512 : i32
    %mul3A_15 = arith.muli %add3A_13, %mul3A_14 : i32
    %dma_start3A_16 = arith.constant 8192 : i32
    %dma_start3A_17 = tpu.memref_slice %arg6[%dma_start3A_16] : memref<16384xf32, #tpu.memory_space<vmem>> -> memref<8192xf32, #tpu.memory_space<vmem>>
    %dma_start3A_18 = tpu.memref_slice %arg3[%mul3A_15] : memref<262144xf32, #tpu.memory_space<hbm>> -> memref<8192xf32, #tpu.memory_space<hbm>>
    %dma_start3A_19 = arith.constant 8192 : i32
    %dma_start3A_20 = tpu.memref_slice %arg6[%dma_start3A_19] : memref<16384xf32, #tpu.memory_space<vmem>> -> memref<8192xf32, #tpu.memory_space<vmem>>
    %dma_start3A_21 = tpu.memref_slice %arg3[%mul3A_15] : memref<262144xf32, #tpu.memory_space<hbm>> -> memref<8192xf32, #tpu.memory_space<hbm>>
    tpu.enqueue_dma source(%dma_start3A_21 : memref<8192xf32, #tpu.memory_space<hbm>>) target(%dma_start3A_20 : memref<8192xf32, #tpu.memory_space<vmem>>) target_semaphore(%arg9 : memref<!tpu.dma_semaphore, #tpu.memory_space<semaphore_mem>>)
    "tpu.region"() ({
      %run_scoped3A = tpu.sem_alloc : memref<!tpu.dma_semaphore, #tpu.memory_space<semaphore_mem>>
      %dma_start3A_271 = arith.constant 0 : i32
      %dma_start3A_272 = tpu.memref_slice %arg5[%dma_start3A_271] : memref<16xf32, #tpu.memory_space<vmem>> -> memref<2xf32, #tpu.memory_space<vmem>>
      %dma_start3A_273 = arith.constant 0 : i32
      %dma_start3A_274 = tpu.memref_slice %arg5[%dma_start3A_273] : memref<16xf32, #tpu.memory_space<vmem>> -> memref<2xf32, #tpu.memory_space<vmem>>
      tpu.enqueue_dma source(%arg2 : memref<2xf32, #tpu.memory_space<hbm>>) target(%dma_start3A_274 : memref<2xf32, #tpu.memory_space<vmem>>) target_semaphore(%run_scoped3A : memref<!tpu.dma_semaphore, #tpu.memory_space<semaphore_mem>>)
      %dma_wait3A_275 = arith.constant 0 : i32
      %dma_wait3A_276 = tpu.memref_slice %arg5[%dma_wait3A_275] : memref<16xf32, #tpu.memory_space<vmem>> -> memref<2xf32, #tpu.memory_space<vmem>>
      %dma_wait3A_277 = arith.constant 0 : i32
      %dma_wait3A_278 = tpu.memref_slice %arg5[%dma_wait3A_277] : memref<16xf32, #tpu.memory_space<vmem>> -> memref<2xf32, #tpu.memory_space<vmem>>
      tpu.wait_dma2 semaphore(%run_scoped3A : memref<!tpu.dma_semaphore, #tpu.memory_space<semaphore_mem>>) src(%arg2 : memref<2xf32, #tpu.memory_space<hbm>>) dst(%dma_wait3A_278 : memref<2xf32, #tpu.memory_space<vmem>>)
      tpu.yield
    }) : () -> ()
    %get3A = arith.constant 0 : index
    %get3A_22 = tpu.vector_load %arg5[%get3A] {strides = array<i32>} : memref<16xf32, #tpu.memory_space<vmem>>, vector<16xf32>,
    %get3A_23 = vector.shape_cast %get3A_22 : vector<16xf32> to vector<16xf32>
    %slice3A = vector.extract_strided_slice %get3A_23 {offsets = [0], sizes = [1], strides = [1]} : vector<16xf32> to vector<1xf32>
    %squeeze3A = vector.extract %slice3A[0] : f32 from vector<1xf32>
    %broadcast_in_dim3A = vector.broadcast %squeeze3A : f32 to vector<16xf32>
    %slice3A_24 = vector.extract_strided_slice %get3A_23 {offsets = [1], sizes = [1], strides = [1]} : vector<16xf32> to vector<1xf32>
    %squeeze3A_25 = vector.extract %slice3A_24[0] : f32 from vector<1xf32>
    %broadcast_in_dim3A_26 = vector.broadcast %squeeze3A_25 : f32 to vector<16xf32>
    %iota3A = tpu.iota {dimensions = array<i32: 0>} : vector<16xi32>
    %convert_element_type3A = arith.sitofp %iota3A : vector<16xi32> to vector<16xf32>
    %add3A_27 = arith.constant 0.000000e+00 : f32
    %add3A_28 = vector.broadcast %add3A_27 : f32 to vector<16xf32>
    %add3A_29 = arith.addf %convert_element_type3A, %add3A_28 : vector<16xf32>
    %sub3A = arith.subf %add3A_29, %broadcast_in_dim3A_26 : vector<16xf32>
    %mul3A_30 = arith.mulf %sub3A, %sub3A : vector<16xf32>
    %iota3A_31 = tpu.iota {dimensions = array<i32: 0>} : vector<16xi32>
    %convert_element_type3A_32 = arith.sitofp %iota3A_31 : vector<16xi32> to vector<16xf32>
    %add3A_33 = arith.constant 1.600000e+01 : f32
    %add3A_34 = vector.broadcast %add3A_33 : f32 to vector<16xf32>
    %add3A_35 = arith.addf %convert_element_type3A_32, %add3A_34 : vector<16xf32>
    %sub3A_36 = arith.subf %add3A_35, %broadcast_in_dim3A_26 : vector<16xf32>
    %mul3A_37 = arith.mulf %sub3A_36, %sub3A_36 : vector<16xf32>
    %iota3A_38 = tpu.iota {dimensions = array<i32: 0>} : vector<16xi32>
    %convert_element_type3A_39 = arith.sitofp %iota3A_38 : vector<16xi32> to vector<16xf32>
    %add3A_40 = arith.constant 3.200000e+01 : f32
    %add3A_41 = vector.broadcast %add3A_40 : f32 to vector<16xf32>
    %add3A_42 = arith.addf %convert_element_type3A_39, %add3A_41 : vector<16xf32>
    %sub3A_43 = arith.subf %add3A_42, %broadcast_in_dim3A_26 : vector<16xf32>
    %mul3A_44 = arith.mulf %sub3A_43, %sub3A_43 : vector<16xf32>
    %iota3A_45 = tpu.iota {dimensions = array<i32: 0>} : vector<16xi32>
    %convert_element_type3A_46 = arith.sitofp %iota3A_45 : vector<16xi32> to vector<16xf32>
    %add3A_47 = arith.constant 4.800000e+01 : f32
    %add3A_48 = vector.broadcast %add3A_47 : f32 to vector<16xf32>
    %add3A_49 = arith.addf %convert_element_type3A_46, %add3A_48 : vector<16xf32>
    %sub3A_50 = arith.subf %add3A_49, %broadcast_in_dim3A_26 : vector<16xf32>
    %mul3A_51 = arith.mulf %sub3A_50, %sub3A_50 : vector<16xf32>
    %iota3A_52 = tpu.iota {dimensions = array<i32: 0>} : vector<16xi32>
    %convert_element_type3A_53 = arith.sitofp %iota3A_52 : vector<16xi32> to vector<16xf32>
    %add3A_54 = arith.constant 6.400000e+01 : f32
    %add3A_55 = vector.broadcast %add3A_54 : f32 to vector<16xf32>
    %add3A_56 = arith.addf %convert_element_type3A_53, %add3A_55 : vector<16xf32>
    %sub3A_57 = arith.subf %add3A_56, %broadcast_in_dim3A_26 : vector<16xf32>
    %mul3A_58 = arith.mulf %sub3A_57, %sub3A_57 : vector<16xf32>
    %iota3A_59 = tpu.iota {dimensions = array<i32: 0>} : vector<16xi32>
    %convert_element_type3A_60 = arith.sitofp %iota3A_59 : vector<16xi32> to vector<16xf32>
    %add3A_61 = arith.constant 8.000000e+01 : f32
    %add3A_62 = vector.broadcast %add3A_61 : f32 to vector<16xf32>
    %add3A_63 = arith.addf %convert_element_type3A_60, %add3A_62 : vector<16xf32>
    %sub3A_64 = arith.subf %add3A_63, %broadcast_in_dim3A_26 : vector<16xf32>
    %mul3A_65 = arith.mulf %sub3A_64, %sub3A_64 : vector<16xf32>
    %iota3A_66 = tpu.iota {dimensions = array<i32: 0>} : vector<16xi32>
    %convert_element_type3A_67 = arith.sitofp %iota3A_66 : vector<16xi32> to vector<16xf32>
    %add3A_68 = arith.constant 9.600000e+01 : f32
    %add3A_69 = vector.broadcast %add3A_68 : f32 to vector<16xf32>
    %add3A_70 = arith.addf %convert_element_type3A_67, %add3A_69 : vector<16xf32>
    %sub3A_71 = arith.subf %add3A_70, %broadcast_in_dim3A_26 : vector<16xf32>
    %mul3A_72 = arith.mulf %sub3A_71, %sub3A_71 : vector<16xf32>
    %iota3A_73 = tpu.iota {dimensions = array<i32: 0>} : vector<16xi32>
    %convert_element_type3A_74 = arith.sitofp %iota3A_73 : vector<16xi32> to vector<16xf32>
    %add3A_75 = arith.constant 1.120000e+02 : f32
    %add3A_76 = vector.broadcast %add3A_75 : f32 to vector<16xf32>
    %add3A_77 = arith.addf %convert_element_type3A_74, %add3A_76 : vector<16xf32>
    %sub3A_78 = arith.subf %add3A_77, %broadcast_in_dim3A_26 : vector<16xf32>
    %mul3A_79 = arith.mulf %sub3A_78, %sub3A_78 : vector<16xf32>
    %iota3A_80 = tpu.iota {dimensions = array<i32: 0>} : vector<16xi32>
    %convert_element_type3A_81 = arith.sitofp %iota3A_80 : vector<16xi32> to vector<16xf32>
    %add3A_82 = arith.constant 1.280000e+02 : f32
    %add3A_83 = vector.broadcast %add3A_82 : f32 to vector<16xf32>
    %add3A_84 = arith.addf %convert_element_type3A_81, %add3A_83 : vector<16xf32>
    %sub3A_85 = arith.subf %add3A_84, %broadcast_in_dim3A_26 : vector<16xf32>
    %mul3A_86 = arith.mulf %sub3A_85, %sub3A_85 : vector<16xf32>
    %iota3A_87 = tpu.iota {dimensions = array<i32: 0>} : vector<16xi32>
    %convert_element_type3A_88 = arith.sitofp %iota3A_87 : vector<16xi32> to vector<16xf32>
    %add3A_89 = arith.constant 1.440000e+02 : f32
    %add3A_90 = vector.broadcast %add3A_89 : f32 to vector<16xf32>
    %add3A_91 = arith.addf %convert_element_type3A_88, %add3A_90 : vector<16xf32>
    %sub3A_92 = arith.subf %add3A_91, %broadcast_in_dim3A_26 : vector<16xf32>
    %mul3A_93 = arith.mulf %sub3A_92, %sub3A_92 : vector<16xf32>
    %iota3A_94 = tpu.iota {dimensions = array<i32: 0>} : vector<16xi32>
    %convert_element_type3A_95 = arith.sitofp %iota3A_94 : vector<16xi32> to vector<16xf32>
    %add3A_96 = arith.constant 1.600000e+02 : f32
    %add3A_97 = vector.broadcast %add3A_96 : f32 to vector<16xf32>
    %add3A_98 = arith.addf %convert_element_type3A_95, %add3A_97 : vector<16xf32>
    %sub3A_99 = arith.subf %add3A_98, %broadcast_in_dim3A_26 : vector<16xf32>
    %mul3A_100 = arith.mulf %sub3A_99, %sub3A_99 : vector<16xf32>
    %iota3A_101 = tpu.iota {dimensions = array<i32: 0>} : vector<16xi32>
    %convert_element_type3A_102 = arith.sitofp %iota3A_101 : vector<16xi32> to vector<16xf32>
    %add3A_103 = arith.constant 1.760000e+02 : f32
    %add3A_104 = vector.broadcast %add3A_103 : f32 to vector<16xf32>
    %add3A_105 = arith.addf %convert_element_type3A_102, %add3A_104 : vector<16xf32>
    %sub3A_106 = arith.subf %add3A_105, %broadcast_in_dim3A_26 : vector<16xf32>
    %mul3A_107 = arith.mulf %sub3A_106, %sub3A_106 : vector<16xf32>
    %iota3A_108 = tpu.iota {dimensions = array<i32: 0>} : vector<16xi32>
    %convert_element_type3A_109 = arith.sitofp %iota3A_108 : vector<16xi32> to vector<16xf32>
    %add3A_110 = arith.constant 1.920000e+02 : f32
    %add3A_111 = vector.broadcast %add3A_110 : f32 to vector<16xf32>
    %add3A_112 = arith.addf %convert_element_type3A_109, %add3A_111 : vector<16xf32>
    %sub3A_113 = arith.subf %add3A_112, %broadcast_in_dim3A_26 : vector<16xf32>
    %mul3A_114 = arith.mulf %sub3A_113, %sub3A_113 : vector<16xf32>
    %iota3A_115 = tpu.iota {dimensions = array<i32: 0>} : vector<16xi32>
    %convert_element_type3A_116 = arith.sitofp %iota3A_115 : vector<16xi32> to vector<16xf32>
    %add3A_117 = arith.constant 2.080000e+02 : f32
    %add3A_118 = vector.broadcast %add3A_117 : f32 to vector<16xf32>
    %add3A_119 = arith.addf %convert_element_type3A_116, %add3A_118 : vector<16xf32>
    %sub3A_120 = arith.subf %add3A_119, %broadcast_in_dim3A_26 : vector<16xf32>
    %mul3A_121 = arith.mulf %sub3A_120, %sub3A_120 : vector<16xf32>
    %iota3A_122 = tpu.iota {dimensions = array<i32: 0>} : vector<16xi32>
    %convert_element_type3A_123 = arith.sitofp %iota3A_122 : vector<16xi32> to vector<16xf32>
    %add3A_124 = arith.constant 2.240000e+02 : f32
    %add3A_125 = vector.broadcast %add3A_124 : f32 to vector<16xf32>
    %add3A_126 = arith.addf %convert_element_type3A_123, %add3A_125 : vector<16xf32>
    %sub3A_127 = arith.subf %add3A_126, %broadcast_in_dim3A_26 : vector<16xf32>
    %mul3A_128 = arith.mulf %sub3A_127, %sub3A_127 : vector<16xf32>
    %iota3A_129 = tpu.iota {dimensions = array<i32: 0>} : vector<16xi32>
    %convert_element_type3A_130 = arith.sitofp %iota3A_129 : vector<16xi32> to vector<16xf32>
    %add3A_131 = arith.constant 2.400000e+02 : f32
    %add3A_132 = vector.broadcast %add3A_131 : f32 to vector<16xf32>
    %add3A_133 = arith.addf %convert_element_type3A_130, %add3A_132 : vector<16xf32>
    %sub3A_134 = arith.subf %add3A_133, %broadcast_in_dim3A_26 : vector<16xf32>
    %mul3A_135 = arith.mulf %sub3A_134, %sub3A_134 : vector<16xf32>
    %iota3A_136 = tpu.iota {dimensions = array<i32: 0>} : vector<16xi32>
    %convert_element_type3A_137 = arith.sitofp %iota3A_136 : vector<16xi32> to vector<16xf32>
    %add3A_138 = arith.constant 2.560000e+02 : f32
    %add3A_139 = vector.broadcast %add3A_138 : f32 to vector<16xf32>
    %add3A_140 = arith.addf %convert_element_type3A_137, %add3A_139 : vector<16xf32>
    %sub3A_141 = arith.subf %add3A_140, %broadcast_in_dim3A_26 : vector<16xf32>
    %mul3A_142 = arith.mulf %sub3A_141, %sub3A_141 : vector<16xf32>
    %iota3A_143 = tpu.iota {dimensions = array<i32: 0>} : vector<16xi32>
    %convert_element_type3A_144 = arith.sitofp %iota3A_143 : vector<16xi32> to vector<16xf32>
    %add3A_145 = arith.constant 2.720000e+02 : f32
    %add3A_146 = vector.broadcast %add3A_145 : f32 to vector<16xf32>
    %add3A_147 = arith.addf %convert_element_type3A_144, %add3A_146 : vector<16xf32>
    %sub3A_148 = arith.subf %add3A_147, %broadcast_in_dim3A_26 : vector<16xf32>
    %mul3A_149 = arith.mulf %sub3A_148, %sub3A_148 : vector<16xf32>
    %iota3A_150 = tpu.iota {dimensions = array<i32: 0>} : vector<16xi32>
    %convert_element_type3A_151 = arith.sitofp %iota3A_150 : vector<16xi32> to vector<16xf32>
    %add3A_152 = arith.constant 2.880000e+02 : f32
    %add3A_153 = vector.broadcast %add3A_152 : f32 to vector<16xf32>
    %add3A_154 = arith.addf %convert_element_type3A_151, %add3A_153 : vector<16xf32>
    %sub3A_155 = arith.subf %add3A_154, %broadcast_in_dim3A_26 : vector<16xf32>
    %mul3A_156 = arith.mulf %sub3A_155, %sub3A_155 : vector<16xf32>
    %iota3A_157 = tpu.iota {dimensions = array<i32: 0>} : vector<16xi32>
    %convert_element_type3A_158 = arith.sitofp %iota3A_157 : vector<16xi32> to vector<16xf32>
    %add3A_159 = arith.constant 3.040000e+02 : f32
    %add3A_160 = vector.broadcast %add3A_159 : f32 to vector<16xf32>
    %add3A_161 = arith.addf %convert_element_type3A_158, %add3A_160 : vector<16xf32>
    %sub3A_162 = arith.subf %add3A_161, %broadcast_in_dim3A_26 : vector<16xf32>
    %mul3A_163 = arith.mulf %sub3A_162, %sub3A_162 : vector<16xf32>
    %iota3A_164 = tpu.iota {dimensions = array<i32: 0>} : vector<16xi32>
    %convert_element_type3A_165 = arith.sitofp %iota3A_164 : vector<16xi32> to vector<16xf32>
    %add3A_166 = arith.constant 3.200000e+02 : f32
    %add3A_167 = vector.broadcast %add3A_166 : f32 to vector<16xf32>
    %add3A_168 = arith.addf %convert_element_type3A_165, %add3A_167 : vector<16xf32>
    %sub3A_169 = arith.subf %add3A_168, %broadcast_in_dim3A_26 : vector<16xf32>
    %mul3A_170 = arith.mulf %sub3A_169, %sub3A_169 : vector<16xf32>
    %iota3A_171 = tpu.iota {dimensions = array<i32: 0>} : vector<16xi32>
    %convert_element_type3A_172 = arith.sitofp %iota3A_171 : vector<16xi32> to vector<16xf32>
    %add3A_173 = arith.constant 3.360000e+02 : f32
    %add3A_174 = vector.broadcast %add3A_173 : f32 to vector<16xf32>
    %add3A_175 = arith.addf %convert_element_type3A_172, %add3A_174 : vector<16xf32>
    %sub3A_176 = arith.subf %add3A_175, %broadcast_in_dim3A_26 : vector<16xf32>
    %mul3A_177 = arith.mulf %sub3A_176, %sub3A_176 : vector<16xf32>
    %iota3A_178 = tpu.iota {dimensions = array<i32: 0>} : vector<16xi32>
    %convert_element_type3A_179 = arith.sitofp %iota3A_178 : vector<16xi32> to vector<16xf32>
    %add3A_180 = arith.constant 3.520000e+02 : f32
    %add3A_181 = vector.broadcast %add3A_180 : f32 to vector<16xf32>
    %add3A_182 = arith.addf %convert_element_type3A_179, %add3A_181 : vector<16xf32>
    %sub3A_183 = arith.subf %add3A_182, %broadcast_in_dim3A_26 : vector<16xf32>
    %mul3A_184 = arith.mulf %sub3A_183, %sub3A_183 : vector<16xf32>
    %iota3A_185 = tpu.iota {dimensions = array<i32: 0>} : vector<16xi32>
    %convert_element_type3A_186 = arith.sitofp %iota3A_185 : vector<16xi32> to vector<16xf32>
    %add3A_187 = arith.constant 3.680000e+02 : f32
    %add3A_188 = vector.broadcast %add3A_187 : f32 to vector<16xf32>
    %add3A_189 = arith.addf %convert_element_type3A_186, %add3A_188 : vector<16xf32>
    %sub3A_190 = arith.subf %add3A_189, %broadcast_in_dim3A_26 : vector<16xf32>
    %mul3A_191 = arith.mulf %sub3A_190, %sub3A_190 : vector<16xf32>
    %iota3A_192 = tpu.iota {dimensions = array<i32: 0>} : vector<16xi32>
    %convert_element_type3A_193 = arith.sitofp %iota3A_192 : vector<16xi32> to vector<16xf32>
    %add3A_194 = arith.constant 3.840000e+02 : f32
    %add3A_195 = vector.broadcast %add3A_194 : f32 to vector<16xf32>
    %add3A_196 = arith.addf %convert_element_type3A_193, %add3A_195 : vector<16xf32>
    %sub3A_197 = arith.subf %add3A_196, %broadcast_in_dim3A_26 : vector<16xf32>
    %mul3A_198 = arith.mulf %sub3A_197, %sub3A_197 : vector<16xf32>
    %iota3A_199 = tpu.iota {dimensions = array<i32: 0>} : vector<16xi32>
    %convert_element_type3A_200 = arith.sitofp %iota3A_199 : vector<16xi32> to vector<16xf32>
    %add3A_201 = arith.constant 4.000000e+02 : f32
    %add3A_202 = vector.broadcast %add3A_201 : f32 to vector<16xf32>
    %add3A_203 = arith.addf %convert_element_type3A_200, %add3A_202 : vector<16xf32>
    %sub3A_204 = arith.subf %add3A_203, %broadcast_in_dim3A_26 : vector<16xf32>
    %mul3A_205 = arith.mulf %sub3A_204, %sub3A_204 : vector<16xf32>
    %iota3A_206 = tpu.iota {dimensions = array<i32: 0>} : vector<16xi32>
    %convert_element_type3A_207 = arith.sitofp %iota3A_206 : vector<16xi32> to vector<16xf32>
    %add3A_208 = arith.constant 4.160000e+02 : f32
    %add3A_209 = vector.broadcast %add3A_208 : f32 to vector<16xf32>
    %add3A_210 = arith.addf %convert_element_type3A_207, %add3A_209 : vector<16xf32>
    %sub3A_211 = arith.subf %add3A_210, %broadcast_in_dim3A_26 : vector<16xf32>
    %mul3A_212 = arith.mulf %sub3A_211, %sub3A_211 : vector<16xf32>
    %iota3A_213 = tpu.iota {dimensions = array<i32: 0>} : vector<16xi32>
    %convert_element_type3A_214 = arith.sitofp %iota3A_213 : vector<16xi32> to vector<16xf32>
    %add3A_215 = arith.constant 4.320000e+02 : f32
    %add3A_216 = vector.broadcast %add3A_215 : f32 to vector<16xf32>
    %add3A_217 = arith.addf %convert_element_type3A_214, %add3A_216 : vector<16xf32>
    %sub3A_218 = arith.subf %add3A_217, %broadcast_in_dim3A_26 : vector<16xf32>
    %mul3A_219 = arith.mulf %sub3A_218, %sub3A_218 : vector<16xf32>
    %iota3A_220 = tpu.iota {dimensions = array<i32: 0>} : vector<16xi32>
    %convert_element_type3A_221 = arith.sitofp %iota3A_220 : vector<16xi32> to vector<16xf32>
    %add3A_222 = arith.constant 4.480000e+02 : f32
    %add3A_223 = vector.broadcast %add3A_222 : f32 to vector<16xf32>
    %add3A_224 = arith.addf %convert_element_type3A_221, %add3A_223 : vector<16xf32>
    %sub3A_225 = arith.subf %add3A_224, %broadcast_in_dim3A_26 : vector<16xf32>
    %mul3A_226 = arith.mulf %sub3A_225, %sub3A_225 : vector<16xf32>
    %iota3A_227 = tpu.iota {dimensions = array<i32: 0>} : vector<16xi32>
    %convert_element_type3A_228 = arith.sitofp %iota3A_227 : vector<16xi32> to vector<16xf32>
    %add3A_229 = arith.constant 4.640000e+02 : f32
    %add3A_230 = vector.broadcast %add3A_229 : f32 to vector<16xf32>
    %add3A_231 = arith.addf %convert_element_type3A_228, %add3A_230 : vector<16xf32>
    %sub3A_232 = arith.subf %add3A_231, %broadcast_in_dim3A_26 : vector<16xf32>
    %mul3A_233 = arith.mulf %sub3A_232, %sub3A_232 : vector<16xf32>
    %iota3A_234 = tpu.iota {dimensions = array<i32: 0>} : vector<16xi32>
    %convert_element_type3A_235 = arith.sitofp %iota3A_234 : vector<16xi32> to vector<16xf32>
    %add3A_236 = arith.constant 4.800000e+02 : f32
    %add3A_237 = vector.broadcast %add3A_236 : f32 to vector<16xf32>
    %add3A_238 = arith.addf %convert_element_type3A_235, %add3A_237 : vector<16xf32>
    %sub3A_239 = arith.subf %add3A_238, %broadcast_in_dim3A_26 : vector<16xf32>
    %mul3A_240 = arith.mulf %sub3A_239, %sub3A_239 : vector<16xf32>
    %iota3A_241 = tpu.iota {dimensions = array<i32: 0>} : vector<16xi32>
    %convert_element_type3A_242 = arith.sitofp %iota3A_241 : vector<16xi32> to vector<16xf32>
    %add3A_243 = arith.constant 4.960000e+02 : f32
    %add3A_244 = vector.broadcast %add3A_243 : f32 to vector<16xf32>
    %add3A_245 = arith.addf %convert_element_type3A_242, %add3A_244 : vector<16xf32>
    %sub3A_246 = arith.subf %add3A_245, %broadcast_in_dim3A_26 : vector<16xf32>
    %mul3A_247 = arith.mulf %sub3A_246, %sub3A_246 : vector<16xf32>
    %broadcast_in_dim3A_248 = arith.constant 0x7F800000 : f32
    %broadcast_in_dim3A_249 = vector.broadcast %broadcast_in_dim3A_248 : f32 to vector<16xf32>
    %dma_wait3A = arith.constant 0 : i32
    %dma_wait3A_250 = tpu.memref_slice %arg6[%dma_wait3A] : memref<16384xf32, #tpu.memory_space<vmem>> -> memref<8192xf32, #tpu.memory_space<vmem>>
    %dma_wait3A_251 = tpu.memref_slice %arg3[%mul3A_6] : memref<262144xf32, #tpu.memory_space<hbm>> -> memref<8192xf32, #tpu.memory_space<hbm>>
    %dma_wait3A_252 = arith.constant 0 : i32
    %dma_wait3A_253 = tpu.memref_slice %arg6[%dma_wait3A_252] : memref<16384xf32, #tpu.memory_space<vmem>> -> memref<8192xf32, #tpu.memory_space<vmem>>
    %dma_wait3A_254 = tpu.memref_slice %arg3[%mul3A_6] : memref<262144xf32, #tpu.memory_space<hbm>> -> memref<8192xf32, #tpu.memory_space<hbm>>
    tpu.wait_dma2 semaphore(%arg8 : memref<!tpu.dma_semaphore, #tpu.memory_space<semaphore_mem>>) src(%dma_wait3A_254 : memref<8192xf32, #tpu.memory_space<hbm>>) dst(%dma_wait3A_253 : memref<8192xf32, #tpu.memory_space<vmem>>)
    %parallel_loop3A = arith.constant 0 : i32
    %parallel_loop3A_255 = arith.constant 16 : i32
    %parallel_loop3A_256 = arith.constant 1 : i32
    %parallel_loop3A_257 = scf.for %parallel_loop3A_271 = %parallel_loop3A to %parallel_loop3A_255 step %parallel_loop3A_256 iter_args(%parallel_loop3A_272 = %broadcast_in_dim3A_249) -> (vector<16xf32>)  : i32 {
      %parallel_loop3A_273 = arith.addi %mul3A_2, %parallel_loop3A_271 : i32
      %parallel_loop3A_274 = arith.sitofp %parallel_loop3A_273 : i32 to f32
      %parallel_loop3A_275 = vector.broadcast %parallel_loop3A_274 : f32 to vector<16xf32>
      %parallel_loop3A_276 = arith.subf %parallel_loop3A_275, %broadcast_in_dim3A : vector<16xf32>
      %parallel_loop3A_277 = arith.mulf %parallel_loop3A_276, %parallel_loop3A_276 : vector<16xf32>
      %parallel_loop3A_278 = arith.constant 512 : i32
      %parallel_loop3A_279 = arith.muli %parallel_loop3A_271, %parallel_loop3A_278 : i32
      %parallel_loop3A_280 = arith.constant 0 : i32
      %parallel_loop3A_281 = arith.addi %parallel_loop3A_279, %parallel_loop3A_280 : i32
      %parallel_loop3A_282 = arith.index_cast %parallel_loop3A_281 : i32 to index
      %parallel_loop3A_283 = tpu.vector_load %arg6[%parallel_loop3A_282] {strides = array<i32>} : memref<16384xf32, #tpu.memory_space<vmem>>, vector<16xf32>,
      %parallel_loop3A_284 = vector.shape_cast %parallel_loop3A_283 : vector<16xf32> to vector<16xf32>
      %parallel_loop3A_285 = arith.constant 0.000000e+00 : f32
      %parallel_loop3A_286 = vector.broadcast %parallel_loop3A_285 : f32 to vector<16xf32>
      %parallel_loop3A_287 = arith.cmpf ogt, %parallel_loop3A_284, %parallel_loop3A_286 : vector<16xf32>
      %parallel_loop3A_288 = arith.select %parallel_loop3A_287, %mul3A_30, %broadcast_in_dim3A_249 : vector<16xi1>, vector<16xf32>
      %parallel_loop3A_289 = arith.minimumf %broadcast_in_dim3A_249, %parallel_loop3A_288 : vector<16xf32>
      %parallel_loop3A_290 = arith.constant 512 : i32
      %parallel_loop3A_291 = arith.muli %parallel_loop3A_271, %parallel_loop3A_290 : i32
      %parallel_loop3A_292 = arith.constant 16 : i32
      %parallel_loop3A_293 = arith.addi %parallel_loop3A_291, %parallel_loop3A_292 : i32
      %parallel_loop3A_294 = arith.index_cast %parallel_loop3A_293 : i32 to index
      %parallel_loop3A_295 = tpu.vector_load %arg6[%parallel_loop3A_294] {strides = array<i32>} : memref<16384xf32, #tpu.memory_space<vmem>>, vector<16xf32>,
      %parallel_loop3A_296 = vector.shape_cast %parallel_loop3A_295 : vector<16xf32> to vector<16xf32>
      %parallel_loop3A_297 = arith.constant 0.000000e+00 : f32
      %parallel_loop3A_298 = vector.broadcast %parallel_loop3A_297 : f32 to vector<16xf32>
      %parallel_loop3A_299 = arith.cmpf ogt, %parallel_loop3A_296, %parallel_loop3A_298 : vector<16xf32>
      %parallel_loop3A_300 = arith.select %parallel_loop3A_299, %mul3A_37, %broadcast_in_dim3A_249 : vector<16xi1>, vector<16xf32>
      %parallel_loop3A_301 = arith.minimumf %broadcast_in_dim3A_249, %parallel_loop3A_300 : vector<16xf32>
      %parallel_loop3A_302 = arith.constant 512 : i32
      %parallel_loop3A_303 = arith.muli %parallel_loop3A_271, %parallel_loop3A_302 : i32
      %parallel_loop3A_304 = arith.constant 32 : i32
      %parallel_loop3A_305 = arith.addi %parallel_loop3A_303, %parallel_loop3A_304 : i32
      %parallel_loop3A_306 = arith.index_cast %parallel_loop3A_305 : i32 to index
      %parallel_loop3A_307 = tpu.vector_load %arg6[%parallel_loop3A_306] {strides = array<i32>} : memref<16384xf32, #tpu.memory_space<vmem>>, vector<16xf32>,
      %parallel_loop3A_308 = vector.shape_cast %parallel_loop3A_307 : vector<16xf32> to vector<16xf32>
      %parallel_loop3A_309 = arith.constant 0.000000e+00 : f32
      %parallel_loop3A_310 = vector.broadcast %parallel_loop3A_309 : f32 to vector<16xf32>
      %parallel_loop3A_311 = arith.cmpf ogt, %parallel_loop3A_308, %parallel_loop3A_310 : vector<16xf32>
      %parallel_loop3A_312 = arith.select %parallel_loop3A_311, %mul3A_44, %broadcast_in_dim3A_249 : vector<16xi1>, vector<16xf32>
      %parallel_loop3A_313 = arith.minimumf %broadcast_in_dim3A_249, %parallel_loop3A_312 : vector<16xf32>
      %parallel_loop3A_314 = arith.constant 512 : i32
      %parallel_loop3A_315 = arith.muli %parallel_loop3A_271, %parallel_loop3A_314 : i32
      %parallel_loop3A_316 = arith.constant 48 : i32
      %parallel_loop3A_317 = arith.addi %parallel_loop3A_315, %parallel_loop3A_316 : i32
      %parallel_loop3A_318 = arith.index_cast %parallel_loop3A_317 : i32 to index
      %parallel_loop3A_319 = tpu.vector_load %arg6[%parallel_loop3A_318] {strides = array<i32>} : memref<16384xf32, #tpu.memory_space<vmem>>, vector<16xf32>,
      %parallel_loop3A_320 = vector.shape_cast %parallel_loop3A_319 : vector<16xf32> to vector<16xf32>
      %parallel_loop3A_321 = arith.constant 0.000000e+00 : f32
      %parallel_loop3A_322 = vector.broadcast %parallel_loop3A_321 : f32 to vector<16xf32>
      %parallel_loop3A_323 = arith.cmpf ogt, %parallel_loop3A_320, %parallel_loop3A_322 : vector<16xf32>
      %parallel_loop3A_324 = arith.select %parallel_loop3A_323, %mul3A_51, %broadcast_in_dim3A_249 : vector<16xi1>, vector<16xf32>
      %parallel_loop3A_325 = arith.minimumf %broadcast_in_dim3A_249, %parallel_loop3A_324 : vector<16xf32>
      %parallel_loop3A_326 = arith.constant 512 : i32
      %parallel_loop3A_327 = arith.muli %parallel_loop3A_271, %parallel_loop3A_326 : i32
      %parallel_loop3A_328 = arith.constant 64 : i32
      %parallel_loop3A_329 = arith.addi %parallel_loop3A_327, %parallel_loop3A_328 : i32
      %parallel_loop3A_330 = arith.index_cast %parallel_loop3A_329 : i32 to index
      %parallel_loop3A_331 = tpu.vector_load %arg6[%parallel_loop3A_330] {strides = array<i32>} : memref<16384xf32, #tpu.memory_space<vmem>>, vector<16xf32>,
      %parallel_loop3A_332 = vector.shape_cast %parallel_loop3A_331 : vector<16xf32> to vector<16xf32>
      %parallel_loop3A_333 = arith.constant 0.000000e+00 : f32
      %parallel_loop3A_334 = vector.broadcast %parallel_loop3A_333 : f32 to vector<16xf32>
      %parallel_loop3A_335 = arith.cmpf ogt, %parallel_loop3A_332, %parallel_loop3A_334 : vector<16xf32>
      %parallel_loop3A_336 = arith.select %parallel_loop3A_335, %mul3A_58, %broadcast_in_dim3A_249 : vector<16xi1>, vector<16xf32>
      %parallel_loop3A_337 = arith.minimumf %parallel_loop3A_289, %parallel_loop3A_336 : vector<16xf32>
      %parallel_loop3A_338 = arith.constant 512 : i32
      %parallel_loop3A_339 = arith.muli %parallel_loop3A_271, %parallel_loop3A_338 : i32
      %parallel_loop3A_340 = arith.constant 80 : i32
      %parallel_loop3A_341 = arith.addi %parallel_loop3A_339, %parallel_loop3A_340 : i32
      %parallel_loop3A_342 = arith.index_cast %parallel_loop3A_341 : i32 to index
      %parallel_loop3A_343 = tpu.vector_load %arg6[%parallel_loop3A_342] {strides = array<i32>} : memref<16384xf32, #tpu.memory_space<vmem>>, vector<16xf32>,
      %parallel_loop3A_344 = vector.shape_cast %parallel_loop3A_343 : vector<16xf32> to vector<16xf32>
      %parallel_loop3A_345 = arith.constant 0.000000e+00 : f32
      %parallel_loop3A_346 = vector.broadcast %parallel_loop3A_345 : f32 to vector<16xf32>
      %parallel_loop3A_347 = arith.cmpf ogt, %parallel_loop3A_344, %parallel_loop3A_346 : vector<16xf32>
      %parallel_loop3A_348 = arith.select %parallel_loop3A_347, %mul3A_65, %broadcast_in_dim3A_249 : vector<16xi1>, vector<16xf32>
      %parallel_loop3A_349 = arith.minimumf %parallel_loop3A_301, %parallel_loop3A_348 : vector<16xf32>
      %parallel_loop3A_350 = arith.constant 512 : i32
      %parallel_loop3A_351 = arith.muli %parallel_loop3A_271, %parallel_loop3A_350 : i32
      %parallel_loop3A_352 = arith.constant 96 : i32
      %parallel_loop3A_353 = arith.addi %parallel_loop3A_351, %parallel_loop3A_352 : i32
      %parallel_loop3A_354 = arith.index_cast %parallel_loop3A_353 : i32 to index
      %parallel_loop3A_355 = tpu.vector_load %arg6[%parallel_loop3A_354] {strides = array<i32>} : memref<16384xf32, #tpu.memory_space<vmem>>, vector<16xf32>,
      %parallel_loop3A_356 = vector.shape_cast %parallel_loop3A_355 : vector<16xf32> to vector<16xf32>
      %parallel_loop3A_357 = arith.constant 0.000000e+00 : f32
      %parallel_loop3A_358 = vector.broadcast %parallel_loop3A_357 : f32 to vector<16xf32>
      %parallel_loop3A_359 = arith.cmpf ogt, %parallel_loop3A_356, %parallel_loop3A_358 : vector<16xf32>
      %parallel_loop3A_360 = arith.select %parallel_loop3A_359, %mul3A_72, %broadcast_in_dim3A_249 : vector<16xi1>, vector<16xf32>
      %parallel_loop3A_361 = arith.minimumf %parallel_loop3A_313, %parallel_loop3A_360 : vector<16xf32>
      %parallel_loop3A_362 = arith.constant 512 : i32
      %parallel_loop3A_363 = arith.muli %parallel_loop3A_271, %parallel_loop3A_362 : i32
      %parallel_loop3A_364 = arith.constant 112 : i32
      %parallel_loop3A_365 = arith.addi %parallel_loop3A_363, %parallel_loop3A_364 : i32
      %parallel_loop3A_366 = arith.index_cast %parallel_loop3A_365 : i32 to index
      %parallel_loop3A_367 = tpu.vector_load %arg6[%parallel_loop3A_366] {strides = array<i32>} : memref<16384xf32, #tpu.memory_space<vmem>>, vector<16xf32>,
      %parallel_loop3A_368 = vector.shape_cast %parallel_loop3A_367 : vector<16xf32> to vector<16xf32>
      %parallel_loop3A_369 = arith.constant 0.000000e+00 : f32
      %parallel_loop3A_370 = vector.broadcast %parallel_loop3A_369 : f32 to vector<16xf32>
      %parallel_loop3A_371 = arith.cmpf ogt, %parallel_loop3A_368, %parallel_loop3A_370 : vector<16xf32>
      %parallel_loop3A_372 = arith.select %parallel_loop3A_371, %mul3A_79, %broadcast_in_dim3A_249 : vector<16xi1>, vector<16xf32>
      %parallel_loop3A_373 = arith.minimumf %parallel_loop3A_325, %parallel_loop3A_372 : vector<16xf32>
      %parallel_loop3A_374 = arith.constant 512 : i32
      %parallel_loop3A_375 = arith.muli %parallel_loop3A_271, %parallel_loop3A_374 : i32
      %parallel_loop3A_376 = arith.constant 128 : i32
      %parallel_loop3A_377 = arith.addi %parallel_loop3A_375, %parallel_loop3A_376 : i32
      %parallel_loop3A_378 = arith.index_cast %parallel_loop3A_377 : i32 to index
      %parallel_loop3A_379 = tpu.vector_load %arg6[%parallel_loop3A_378] {strides = array<i32>} : memref<16384xf32, #tpu.memory_space<vmem>>, vector<16xf32>,
      %parallel_loop3A_380 = vector.shape_cast %parallel_loop3A_379 : vector<16xf32> to vector<16xf32>
      %parallel_loop3A_381 = arith.constant 0.000000e+00 : f32
      %parallel_loop3A_382 = vector.broadcast %parallel_loop3A_381 : f32 to vector<16xf32>
      %parallel_loop3A_383 = arith.cmpf ogt, %parallel_loop3A_380, %parallel_loop3A_382 : vector<16xf32>
      %parallel_loop3A_384 = arith.select %parallel_loop3A_383, %mul3A_86, %broadcast_in_dim3A_249 : vector<16xi1>, vector<16xf32>
      %parallel_loop3A_385 = arith.minimumf %parallel_loop3A_337, %parallel_loop3A_384 : vector<16xf32>
      %parallel_loop3A_386 = arith.constant 512 : i32
      %parallel_loop3A_387 = arith.muli %parallel_loop3A_271, %parallel_loop3A_386 : i32
      %parallel_loop3A_388 = arith.constant 144 : i32
      %parallel_loop3A_389 = arith.addi %parallel_loop3A_387, %parallel_loop3A_388 : i32
      %parallel_loop3A_390 = arith.index_cast %parallel_loop3A_389 : i32 to index
      %parallel_loop3A_391 = tpu.vector_load %arg6[%parallel_loop3A_390] {strides = array<i32>} : memref<16384xf32, #tpu.memory_space<vmem>>, vector<16xf32>,
      %parallel_loop3A_392 = vector.shape_cast %parallel_loop3A_391 : vector<16xf32> to vector<16xf32>
      %parallel_loop3A_393 = arith.constant 0.000000e+00 : f32
      %parallel_loop3A_394 = vector.broadcast %parallel_loop3A_393 : f32 to vector<16xf32>
      %parallel_loop3A_395 = arith.cmpf ogt, %parallel_loop3A_392, %parallel_loop3A_394 : vector<16xf32>
      %parallel_loop3A_396 = arith.select %parallel_loop3A_395, %mul3A_93, %broadcast_in_dim3A_249 : vector<16xi1>, vector<16xf32>
      %parallel_loop3A_397 = arith.minimumf %parallel_loop3A_349, %parallel_loop3A_396 : vector<16xf32>
      %parallel_loop3A_398 = arith.constant 512 : i32
      %parallel_loop3A_399 = arith.muli %parallel_loop3A_271, %parallel_loop3A_398 : i32
      %parallel_loop3A_400 = arith.constant 160 : i32
      %parallel_loop3A_401 = arith.addi %parallel_loop3A_399, %parallel_loop3A_400 : i32
      %parallel_loop3A_402 = arith.index_cast %parallel_loop3A_401 : i32 to index
      %parallel_loop3A_403 = tpu.vector_load %arg6[%parallel_loop3A_402] {strides = array<i32>} : memref<16384xf32, #tpu.memory_space<vmem>>, vector<16xf32>,
      %parallel_loop3A_404 = vector.shape_cast %parallel_loop3A_403 : vector<16xf32> to vector<16xf32>
      %parallel_loop3A_405 = arith.constant 0.000000e+00 : f32
      %parallel_loop3A_406 = vector.broadcast %parallel_loop3A_405 : f32 to vector<16xf32>
      %parallel_loop3A_407 = arith.cmpf ogt, %parallel_loop3A_404, %parallel_loop3A_406 : vector<16xf32>
      %parallel_loop3A_408 = arith.select %parallel_loop3A_407, %mul3A_100, %broadcast_in_dim3A_249 : vector<16xi1>, vector<16xf32>
      %parallel_loop3A_409 = arith.minimumf %parallel_loop3A_361, %parallel_loop3A_408 : vector<16xf32>
      %parallel_loop3A_410 = arith.constant 512 : i32
      %parallel_loop3A_411 = arith.muli %parallel_loop3A_271, %parallel_loop3A_410 : i32
      %parallel_loop3A_412 = arith.constant 176 : i32
      %parallel_loop3A_413 = arith.addi %parallel_loop3A_411, %parallel_loop3A_412 : i32
      %parallel_loop3A_414 = arith.index_cast %parallel_loop3A_413 : i32 to index
      %parallel_loop3A_415 = tpu.vector_load %arg6[%parallel_loop3A_414] {strides = array<i32>} : memref<16384xf32, #tpu.memory_space<vmem>>, vector<16xf32>,
      %parallel_loop3A_416 = vector.shape_cast %parallel_loop3A_415 : vector<16xf32> to vector<16xf32>
      %parallel_loop3A_417 = arith.constant 0.000000e+00 : f32
      %parallel_loop3A_418 = vector.broadcast %parallel_loop3A_417 : f32 to vector<16xf32>
      %parallel_loop3A_419 = arith.cmpf ogt, %parallel_loop3A_416, %parallel_loop3A_418 : vector<16xf32>
      %parallel_loop3A_420 = arith.select %parallel_loop3A_419, %mul3A_107, %broadcast_in_dim3A_249 : vector<16xi1>, vector<16xf32>
      %parallel_loop3A_421 = arith.minimumf %parallel_loop3A_373, %parallel_loop3A_420 : vector<16xf32>
      %parallel_loop3A_422 = arith.constant 512 : i32
      %parallel_loop3A_423 = arith.muli %parallel_loop3A_271, %parallel_loop3A_422 : i32
      %parallel_loop3A_424 = arith.constant 192 : i32
      %parallel_loop3A_425 = arith.addi %parallel_loop3A_423, %parallel_loop3A_424 : i32
      %parallel_loop3A_426 = arith.index_cast %parallel_loop3A_425 : i32 to index
      %parallel_loop3A_427 = tpu.vector_load %arg6[%parallel_loop3A_426] {strides = array<i32>} : memref<16384xf32, #tpu.memory_space<vmem>>, vector<16xf32>,
      %parallel_loop3A_428 = vector.shape_cast %parallel_loop3A_427 : vector<16xf32> to vector<16xf32>
      %parallel_loop3A_429 = arith.constant 0.000000e+00 : f32
      %parallel_loop3A_430 = vector.broadcast %parallel_loop3A_429 : f32 to vector<16xf32>
      %parallel_loop3A_431 = arith.cmpf ogt, %parallel_loop3A_428, %parallel_loop3A_430 : vector<16xf32>
      %parallel_loop3A_432 = arith.select %parallel_loop3A_431, %mul3A_114, %broadcast_in_dim3A_249 : vector<16xi1>, vector<16xf32>
      %parallel_loop3A_433 = arith.minimumf %parallel_loop3A_385, %parallel_loop3A_432 : vector<16xf32>
      %parallel_loop3A_434 = arith.constant 512 : i32
      %parallel_loop3A_435 = arith.muli %parallel_loop3A_271, %parallel_loop3A_434 : i32
      %parallel_loop3A_436 = arith.constant 208 : i32
      %parallel_loop3A_437 = arith.addi %parallel_loop3A_435, %parallel_loop3A_436 : i32
      %parallel_loop3A_438 = arith.index_cast %parallel_loop3A_437 : i32 to index
      %parallel_loop3A_439 = tpu.vector_load %arg6[%parallel_loop3A_438] {strides = array<i32>} : memref<16384xf32, #tpu.memory_space<vmem>>, vector<16xf32>,
      %parallel_loop3A_440 = vector.shape_cast %parallel_loop3A_439 : vector<16xf32> to vector<16xf32>
      %parallel_loop3A_441 = arith.constant 0.000000e+00 : f32
      %parallel_loop3A_442 = vector.broadcast %parallel_loop3A_441 : f32 to vector<16xf32>
      %parallel_loop3A_443 = arith.cmpf ogt, %parallel_loop3A_440, %parallel_loop3A_442 : vector<16xf32>
      %parallel_loop3A_444 = arith.select %parallel_loop3A_443, %mul3A_121, %broadcast_in_dim3A_249 : vector<16xi1>, vector<16xf32>
      %parallel_loop3A_445 = arith.minimumf %parallel_loop3A_397, %parallel_loop3A_444 : vector<16xf32>
      %parallel_loop3A_446 = arith.constant 512 : i32
      %parallel_loop3A_447 = arith.muli %parallel_loop3A_271, %parallel_loop3A_446 : i32
      %parallel_loop3A_448 = arith.constant 224 : i32
      %parallel_loop3A_449 = arith.addi %parallel_loop3A_447, %parallel_loop3A_448 : i32
      %parallel_loop3A_450 = arith.index_cast %parallel_loop3A_449 : i32 to index
      %parallel_loop3A_451 = tpu.vector_load %arg6[%parallel_loop3A_450] {strides = array<i32>} : memref<16384xf32, #tpu.memory_space<vmem>>, vector<16xf32>,
      %parallel_loop3A_452 = vector.shape_cast %parallel_loop3A_451 : vector<16xf32> to vector<16xf32>
      %parallel_loop3A_453 = arith.constant 0.000000e+00 : f32
      %parallel_loop3A_454 = vector.broadcast %parallel_loop3A_453 : f32 to vector<16xf32>
      %parallel_loop3A_455 = arith.cmpf ogt, %parallel_loop3A_452, %parallel_loop3A_454 : vector<16xf32>
      %parallel_loop3A_456 = arith.select %parallel_loop3A_455, %mul3A_128, %broadcast_in_dim3A_249 : vector<16xi1>, vector<16xf32>
      %parallel_loop3A_457 = arith.minimumf %parallel_loop3A_409, %parallel_loop3A_456 : vector<16xf32>
      %parallel_loop3A_458 = arith.constant 512 : i32
      %parallel_loop3A_459 = arith.muli %parallel_loop3A_271, %parallel_loop3A_458 : i32
      %parallel_loop3A_460 = arith.constant 240 : i32
      %parallel_loop3A_461 = arith.addi %parallel_loop3A_459, %parallel_loop3A_460 : i32
      %parallel_loop3A_462 = arith.index_cast %parallel_loop3A_461 : i32 to index
      %parallel_loop3A_463 = tpu.vector_load %arg6[%parallel_loop3A_462] {strides = array<i32>} : memref<16384xf32, #tpu.memory_space<vmem>>, vector<16xf32>,
      %parallel_loop3A_464 = vector.shape_cast %parallel_loop3A_463 : vector<16xf32> to vector<16xf32>
      %parallel_loop3A_465 = arith.constant 0.000000e+00 : f32
      %parallel_loop3A_466 = vector.broadcast %parallel_loop3A_465 : f32 to vector<16xf32>
      %parallel_loop3A_467 = arith.cmpf ogt, %parallel_loop3A_464, %parallel_loop3A_466 : vector<16xf32>
      %parallel_loop3A_468 = arith.select %parallel_loop3A_467, %mul3A_135, %broadcast_in_dim3A_249 : vector<16xi1>, vector<16xf32>
      %parallel_loop3A_469 = arith.minimumf %parallel_loop3A_421, %parallel_loop3A_468 : vector<16xf32>
      %parallel_loop3A_470 = arith.constant 512 : i32
      %parallel_loop3A_471 = arith.muli %parallel_loop3A_271, %parallel_loop3A_470 : i32
      %parallel_loop3A_472 = arith.constant 256 : i32
      %parallel_loop3A_473 = arith.addi %parallel_loop3A_471, %parallel_loop3A_472 : i32
      %parallel_loop3A_474 = arith.index_cast %parallel_loop3A_473 : i32 to index
      %parallel_loop3A_475 = tpu.vector_load %arg6[%parallel_loop3A_474] {strides = array<i32>} : memref<16384xf32, #tpu.memory_space<vmem>>, vector<16xf32>,
      %parallel_loop3A_476 = vector.shape_cast %parallel_loop3A_475 : vector<16xf32> to vector<16xf32>
      %parallel_loop3A_477 = arith.constant 0.000000e+00 : f32
      %parallel_loop3A_478 = vector.broadcast %parallel_loop3A_477 : f32 to vector<16xf32>
      %parallel_loop3A_479 = arith.cmpf ogt, %parallel_loop3A_476, %parallel_loop3A_478 : vector<16xf32>
      %parallel_loop3A_480 = arith.select %parallel_loop3A_479, %mul3A_142, %broadcast_in_dim3A_249 : vector<16xi1>, vector<16xf32>
      %parallel_loop3A_481 = arith.minimumf %parallel_loop3A_433, %parallel_loop3A_480 : vector<16xf32>
      %parallel_loop3A_482 = arith.constant 512 : i32
      %parallel_loop3A_483 = arith.muli %parallel_loop3A_271, %parallel_loop3A_482 : i32
      %parallel_loop3A_484 = arith.constant 272 : i32
      %parallel_loop3A_485 = arith.addi %parallel_loop3A_483, %parallel_loop3A_484 : i32
      %parallel_loop3A_486 = arith.index_cast %parallel_loop3A_485 : i32 to index
      %parallel_loop3A_487 = tpu.vector_load %arg6[%parallel_loop3A_486] {strides = array<i32>} : memref<16384xf32, #tpu.memory_space<vmem>>, vector<16xf32>,
      %parallel_loop3A_488 = vector.shape_cast %parallel_loop3A_487 : vector<16xf32> to vector<16xf32>
      %parallel_loop3A_489 = arith.constant 0.000000e+00 : f32
      %parallel_loop3A_490 = vector.broadcast %parallel_loop3A_489 : f32 to vector<16xf32>
      %parallel_loop3A_491 = arith.cmpf ogt, %parallel_loop3A_488, %parallel_loop3A_490 : vector<16xf32>
      %parallel_loop3A_492 = arith.select %parallel_loop3A_491, %mul3A_149, %broadcast_in_dim3A_249 : vector<16xi1>, vector<16xf32>
      %parallel_loop3A_493 = arith.minimumf %parallel_loop3A_445, %parallel_loop3A_492 : vector<16xf32>
      %parallel_loop3A_494 = arith.constant 512 : i32
      %parallel_loop3A_495 = arith.muli %parallel_loop3A_271, %parallel_loop3A_494 : i32
      %parallel_loop3A_496 = arith.constant 288 : i32
      %parallel_loop3A_497 = arith.addi %parallel_loop3A_495, %parallel_loop3A_496 : i32
      %parallel_loop3A_498 = arith.index_cast %parallel_loop3A_497 : i32 to index
      %parallel_loop3A_499 = tpu.vector_load %arg6[%parallel_loop3A_498] {strides = array<i32>} : memref<16384xf32, #tpu.memory_space<vmem>>, vector<16xf32>,
      %parallel_loop3A_500 = vector.shape_cast %parallel_loop3A_499 : vector<16xf32> to vector<16xf32>
      %parallel_loop3A_501 = arith.constant 0.000000e+00 : f32
      %parallel_loop3A_502 = vector.broadcast %parallel_loop3A_501 : f32 to vector<16xf32>
      %parallel_loop3A_503 = arith.cmpf ogt, %parallel_loop3A_500, %parallel_loop3A_502 : vector<16xf32>
      %parallel_loop3A_504 = arith.select %parallel_loop3A_503, %mul3A_156, %broadcast_in_dim3A_249 : vector<16xi1>, vector<16xf32>
      %parallel_loop3A_505 = arith.minimumf %parallel_loop3A_457, %parallel_loop3A_504 : vector<16xf32>
      %parallel_loop3A_506 = arith.constant 512 : i32
      %parallel_loop3A_507 = arith.muli %parallel_loop3A_271, %parallel_loop3A_506 : i32
      %parallel_loop3A_508 = arith.constant 304 : i32
      %parallel_loop3A_509 = arith.addi %parallel_loop3A_507, %parallel_loop3A_508 : i32
      %parallel_loop3A_510 = arith.index_cast %parallel_loop3A_509 : i32 to index
      %parallel_loop3A_511 = tpu.vector_load %arg6[%parallel_loop3A_510] {strides = array<i32>} : memref<16384xf32, #tpu.memory_space<vmem>>, vector<16xf32>,
      %parallel_loop3A_512 = vector.shape_cast %parallel_loop3A_511 : vector<16xf32> to vector<16xf32>
      %parallel_loop3A_513 = arith.constant 0.000000e+00 : f32
      %parallel_loop3A_514 = vector.broadcast %parallel_loop3A_513 : f32 to vector<16xf32>
      %parallel_loop3A_515 = arith.cmpf ogt, %parallel_loop3A_512, %parallel_loop3A_514 : vector<16xf32>
      %parallel_loop3A_516 = arith.select %parallel_loop3A_515, %mul3A_163, %broadcast_in_dim3A_249 : vector<16xi1>, vector<16xf32>
      %parallel_loop3A_517 = arith.minimumf %parallel_loop3A_469, %parallel_loop3A_516 : vector<16xf32>
      %parallel_loop3A_518 = arith.constant 512 : i32
      %parallel_loop3A_519 = arith.muli %parallel_loop3A_271, %parallel_loop3A_518 : i32
      %parallel_loop3A_520 = arith.constant 320 : i32
      %parallel_loop3A_521 = arith.addi %parallel_loop3A_519, %parallel_loop3A_520 : i32
      %parallel_loop3A_522 = arith.index_cast %parallel_loop3A_521 : i32 to index
      %parallel_loop3A_523 = tpu.vector_load %arg6[%parallel_loop3A_522] {strides = array<i32>} : memref<16384xf32, #tpu.memory_space<vmem>>, vector<16xf32>,
      %parallel_loop3A_524 = vector.shape_cast %parallel_loop3A_523 : vector<16xf32> to vector<16xf32>
      %parallel_loop3A_525 = arith.constant 0.000000e+00 : f32
      %parallel_loop3A_526 = vector.broadcast %parallel_loop3A_525 : f32 to vector<16xf32>
      %parallel_loop3A_527 = arith.cmpf ogt, %parallel_loop3A_524, %parallel_loop3A_526 : vector<16xf32>
      %parallel_loop3A_528 = arith.select %parallel_loop3A_527, %mul3A_170, %broadcast_in_dim3A_249 : vector<16xi1>, vector<16xf32>
      %parallel_loop3A_529 = arith.minimumf %parallel_loop3A_481, %parallel_loop3A_528 : vector<16xf32>
      %parallel_loop3A_530 = arith.constant 512 : i32
      %parallel_loop3A_531 = arith.muli %parallel_loop3A_271, %parallel_loop3A_530 : i32
      %parallel_loop3A_532 = arith.constant 336 : i32
      %parallel_loop3A_533 = arith.addi %parallel_loop3A_531, %parallel_loop3A_532 : i32
      %parallel_loop3A_534 = arith.index_cast %parallel_loop3A_533 : i32 to index
      %parallel_loop3A_535 = tpu.vector_load %arg6[%parallel_loop3A_534] {strides = array<i32>} : memref<16384xf32, #tpu.memory_space<vmem>>, vector<16xf32>,
      %parallel_loop3A_536 = vector.shape_cast %parallel_loop3A_535 : vector<16xf32> to vector<16xf32>
      %parallel_loop3A_537 = arith.constant 0.000000e+00 : f32
      %parallel_loop3A_538 = vector.broadcast %parallel_loop3A_537 : f32 to vector<16xf32>
      %parallel_loop3A_539 = arith.cmpf ogt, %parallel_loop3A_536, %parallel_loop3A_538 : vector<16xf32>
      %parallel_loop3A_540 = arith.select %parallel_loop3A_539, %mul3A_177, %broadcast_in_dim3A_249 : vector<16xi1>, vector<16xf32>
      %parallel_loop3A_541 = arith.minimumf %parallel_loop3A_493, %parallel_loop3A_540 : vector<16xf32>
      %parallel_loop3A_542 = arith.constant 512 : i32
      %parallel_loop3A_543 = arith.muli %parallel_loop3A_271, %parallel_loop3A_542 : i32
      %parallel_loop3A_544 = arith.constant 352 : i32
      %parallel_loop3A_545 = arith.addi %parallel_loop3A_543, %parallel_loop3A_544 : i32
      %parallel_loop3A_546 = arith.index_cast %parallel_loop3A_545 : i32 to index
      %parallel_loop3A_547 = tpu.vector_load %arg6[%parallel_loop3A_546] {strides = array<i32>} : memref<16384xf32, #tpu.memory_space<vmem>>, vector<16xf32>,
      %parallel_loop3A_548 = vector.shape_cast %parallel_loop3A_547 : vector<16xf32> to vector<16xf32>
      %parallel_loop3A_549 = arith.constant 0.000000e+00 : f32
      %parallel_loop3A_550 = vector.broadcast %parallel_loop3A_549 : f32 to vector<16xf32>
      %parallel_loop3A_551 = arith.cmpf ogt, %parallel_loop3A_548, %parallel_loop3A_550 : vector<16xf32>
      %parallel_loop3A_552 = arith.select %parallel_loop3A_551, %mul3A_184, %broadcast_in_dim3A_249 : vector<16xi1>, vector<16xf32>
      %parallel_loop3A_553 = arith.minimumf %parallel_loop3A_505, %parallel_loop3A_552 : vector<16xf32>
      %parallel_loop3A_554 = arith.constant 512 : i32
      %parallel_loop3A_555 = arith.muli %parallel_loop3A_271, %parallel_loop3A_554 : i32
      %parallel_loop3A_556 = arith.constant 368 : i32
      %parallel_loop3A_557 = arith.addi %parallel_loop3A_555, %parallel_loop3A_556 : i32
      %parallel_loop3A_558 = arith.index_cast %parallel_loop3A_557 : i32 to index
      %parallel_loop3A_559 = tpu.vector_load %arg6[%parallel_loop3A_558] {strides = array<i32>} : memref<16384xf32, #tpu.memory_space<vmem>>, vector<16xf32>,
      %parallel_loop3A_560 = vector.shape_cast %parallel_loop3A_559 : vector<16xf32> to vector<16xf32>
      %parallel_loop3A_561 = arith.constant 0.000000e+00 : f32
      %parallel_loop3A_562 = vector.broadcast %parallel_loop3A_561 : f32 to vector<16xf32>
      %parallel_loop3A_563 = arith.cmpf ogt, %parallel_loop3A_560, %parallel_loop3A_562 : vector<16xf32>
      %parallel_loop3A_564 = arith.select %parallel_loop3A_563, %mul3A_191, %broadcast_in_dim3A_249 : vector<16xi1>, vector<16xf32>
      %parallel_loop3A_565 = arith.minimumf %parallel_loop3A_517, %parallel_loop3A_564 : vector<16xf32>
      %parallel_loop3A_566 = arith.constant 512 : i32
      %parallel_loop3A_567 = arith.muli %parallel_loop3A_271, %parallel_loop3A_566 : i32
      %parallel_loop3A_568 = arith.constant 384 : i32
      %parallel_loop3A_569 = arith.addi %parallel_loop3A_567, %parallel_loop3A_568 : i32
      %parallel_loop3A_570 = arith.index_cast %parallel_loop3A_569 : i32 to index
      %parallel_loop3A_571 = tpu.vector_load %arg6[%parallel_loop3A_570] {strides = array<i32>} : memref<16384xf32, #tpu.memory_space<vmem>>, vector<16xf32>,
      %parallel_loop3A_572 = vector.shape_cast %parallel_loop3A_571 : vector<16xf32> to vector<16xf32>
      %parallel_loop3A_573 = arith.constant 0.000000e+00 : f32
      %parallel_loop3A_574 = vector.broadcast %parallel_loop3A_573 : f32 to vector<16xf32>
      %parallel_loop3A_575 = arith.cmpf ogt, %parallel_loop3A_572, %parallel_loop3A_574 : vector<16xf32>
      %parallel_loop3A_576 = arith.select %parallel_loop3A_575, %mul3A_198, %broadcast_in_dim3A_249 : vector<16xi1>, vector<16xf32>
      %parallel_loop3A_577 = arith.minimumf %parallel_loop3A_529, %parallel_loop3A_576 : vector<16xf32>
      %parallel_loop3A_578 = arith.constant 512 : i32
      %parallel_loop3A_579 = arith.muli %parallel_loop3A_271, %parallel_loop3A_578 : i32
      %parallel_loop3A_580 = arith.constant 400 : i32
      %parallel_loop3A_581 = arith.addi %parallel_loop3A_579, %parallel_loop3A_580 : i32
      %parallel_loop3A_582 = arith.index_cast %parallel_loop3A_581 : i32 to index
      %parallel_loop3A_583 = tpu.vector_load %arg6[%parallel_loop3A_582] {strides = array<i32>} : memref<16384xf32, #tpu.memory_space<vmem>>, vector<16xf32>,
      %parallel_loop3A_584 = vector.shape_cast %parallel_loop3A_583 : vector<16xf32> to vector<16xf32>
      %parallel_loop3A_585 = arith.constant 0.000000e+00 : f32
      %parallel_loop3A_586 = vector.broadcast %parallel_loop3A_585 : f32 to vector<16xf32>
      %parallel_loop3A_587 = arith.cmpf ogt, %parallel_loop3A_584, %parallel_loop3A_586 : vector<16xf32>
      %parallel_loop3A_588 = arith.select %parallel_loop3A_587, %mul3A_205, %broadcast_in_dim3A_249 : vector<16xi1>, vector<16xf32>
      %parallel_loop3A_589 = arith.minimumf %parallel_loop3A_541, %parallel_loop3A_588 : vector<16xf32>
      %parallel_loop3A_590 = arith.constant 512 : i32
      %parallel_loop3A_591 = arith.muli %parallel_loop3A_271, %parallel_loop3A_590 : i32
      %parallel_loop3A_592 = arith.constant 416 : i32
      %parallel_loop3A_593 = arith.addi %parallel_loop3A_591, %parallel_loop3A_592 : i32
      %parallel_loop3A_594 = arith.index_cast %parallel_loop3A_593 : i32 to index
      %parallel_loop3A_595 = tpu.vector_load %arg6[%parallel_loop3A_594] {strides = array<i32>} : memref<16384xf32, #tpu.memory_space<vmem>>, vector<16xf32>,
      %parallel_loop3A_596 = vector.shape_cast %parallel_loop3A_595 : vector<16xf32> to vector<16xf32>
      %parallel_loop3A_597 = arith.constant 0.000000e+00 : f32
      %parallel_loop3A_598 = vector.broadcast %parallel_loop3A_597 : f32 to vector<16xf32>
      %parallel_loop3A_599 = arith.cmpf ogt, %parallel_loop3A_596, %parallel_loop3A_598 : vector<16xf32>
      %parallel_loop3A_600 = arith.select %parallel_loop3A_599, %mul3A_212, %broadcast_in_dim3A_249 : vector<16xi1>, vector<16xf32>
      %parallel_loop3A_601 = arith.minimumf %parallel_loop3A_553, %parallel_loop3A_600 : vector<16xf32>
      %parallel_loop3A_602 = arith.constant 512 : i32
      %parallel_loop3A_603 = arith.muli %parallel_loop3A_271, %parallel_loop3A_602 : i32
      %parallel_loop3A_604 = arith.constant 432 : i32
      %parallel_loop3A_605 = arith.addi %parallel_loop3A_603, %parallel_loop3A_604 : i32
      %parallel_loop3A_606 = arith.index_cast %parallel_loop3A_605 : i32 to index
      %parallel_loop3A_607 = tpu.vector_load %arg6[%parallel_loop3A_606] {strides = array<i32>} : memref<16384xf32, #tpu.memory_space<vmem>>, vector<16xf32>,
      %parallel_loop3A_608 = vector.shape_cast %parallel_loop3A_607 : vector<16xf32> to vector<16xf32>
      %parallel_loop3A_609 = arith.constant 0.000000e+00 : f32
      %parallel_loop3A_610 = vector.broadcast %parallel_loop3A_609 : f32 to vector<16xf32>
      %parallel_loop3A_611 = arith.cmpf ogt, %parallel_loop3A_608, %parallel_loop3A_610 : vector<16xf32>
      %parallel_loop3A_612 = arith.select %parallel_loop3A_611, %mul3A_219, %broadcast_in_dim3A_249 : vector<16xi1>, vector<16xf32>
      %parallel_loop3A_613 = arith.minimumf %parallel_loop3A_565, %parallel_loop3A_612 : vector<16xf32>
      %parallel_loop3A_614 = arith.constant 512 : i32
      %parallel_loop3A_615 = arith.muli %parallel_loop3A_271, %parallel_loop3A_614 : i32
      %parallel_loop3A_616 = arith.constant 448 : i32
      %parallel_loop3A_617 = arith.addi %parallel_loop3A_615, %parallel_loop3A_616 : i32
      %parallel_loop3A_618 = arith.index_cast %parallel_loop3A_617 : i32 to index
      %parallel_loop3A_619 = tpu.vector_load %arg6[%parallel_loop3A_618] {strides = array<i32>} : memref<16384xf32, #tpu.memory_space<vmem>>, vector<16xf32>,
      %parallel_loop3A_620 = vector.shape_cast %parallel_loop3A_619 : vector<16xf32> to vector<16xf32>
      %parallel_loop3A_621 = arith.constant 0.000000e+00 : f32
      %parallel_loop3A_622 = vector.broadcast %parallel_loop3A_621 : f32 to vector<16xf32>
      %parallel_loop3A_623 = arith.cmpf ogt, %parallel_loop3A_620, %parallel_loop3A_622 : vector<16xf32>
      %parallel_loop3A_624 = arith.select %parallel_loop3A_623, %mul3A_226, %broadcast_in_dim3A_249 : vector<16xi1>, vector<16xf32>
      %parallel_loop3A_625 = arith.minimumf %parallel_loop3A_577, %parallel_loop3A_624 : vector<16xf32>
      %parallel_loop3A_626 = arith.constant 512 : i32
      %parallel_loop3A_627 = arith.muli %parallel_loop3A_271, %parallel_loop3A_626 : i32
      %parallel_loop3A_628 = arith.constant 464 : i32
      %parallel_loop3A_629 = arith.addi %parallel_loop3A_627, %parallel_loop3A_628 : i32
      %parallel_loop3A_630 = arith.index_cast %parallel_loop3A_629 : i32 to index
      %parallel_loop3A_631 = tpu.vector_load %arg6[%parallel_loop3A_630] {strides = array<i32>} : memref<16384xf32, #tpu.memory_space<vmem>>, vector<16xf32>,
      %parallel_loop3A_632 = vector.shape_cast %parallel_loop3A_631 : vector<16xf32> to vector<16xf32>
      %parallel_loop3A_633 = arith.constant 0.000000e+00 : f32
      %parallel_loop3A_634 = vector.broadcast %parallel_loop3A_633 : f32 to vector<16xf32>
      %parallel_loop3A_635 = arith.cmpf ogt, %parallel_loop3A_632, %parallel_loop3A_634 : vector<16xf32>
      %parallel_loop3A_636 = arith.select %parallel_loop3A_635, %mul3A_233, %broadcast_in_dim3A_249 : vector<16xi1>, vector<16xf32>
      %parallel_loop3A_637 = arith.minimumf %parallel_loop3A_589, %parallel_loop3A_636 : vector<16xf32>
      %parallel_loop3A_638 = arith.constant 512 : i32
      %parallel_loop3A_639 = arith.muli %parallel_loop3A_271, %parallel_loop3A_638 : i32
      %parallel_loop3A_640 = arith.constant 480 : i32
      %parallel_loop3A_641 = arith.addi %parallel_loop3A_639, %parallel_loop3A_640 : i32
      %parallel_loop3A_642 = arith.index_cast %parallel_loop3A_641 : i32 to index
      %parallel_loop3A_643 = tpu.vector_load %arg6[%parallel_loop3A_642] {strides = array<i32>} : memref<16384xf32, #tpu.memory_space<vmem>>, vector<16xf32>,
      %parallel_loop3A_644 = vector.shape_cast %parallel_loop3A_643 : vector<16xf32> to vector<16xf32>
      %parallel_loop3A_645 = arith.constant 0.000000e+00 : f32
      %parallel_loop3A_646 = vector.broadcast %parallel_loop3A_645 : f32 to vector<16xf32>
      %parallel_loop3A_647 = arith.cmpf ogt, %parallel_loop3A_644, %parallel_loop3A_646 : vector<16xf32>
      %parallel_loop3A_648 = arith.select %parallel_loop3A_647, %mul3A_240, %broadcast_in_dim3A_249 : vector<16xi1>, vector<16xf32>
      %parallel_loop3A_649 = arith.minimumf %parallel_loop3A_601, %parallel_loop3A_648 : vector<16xf32>
      %parallel_loop3A_650 = arith.constant 512 : i32
      %parallel_loop3A_651 = arith.muli %parallel_loop3A_271, %parallel_loop3A_650 : i32
      %parallel_loop3A_652 = arith.constant 496 : i32
      %parallel_loop3A_653 = arith.addi %parallel_loop3A_651, %parallel_loop3A_652 : i32
      %parallel_loop3A_654 = arith.index_cast %parallel_loop3A_653 : i32 to index
      %parallel_loop3A_655 = tpu.vector_load %arg6[%parallel_loop3A_654] {strides = array<i32>} : memref<16384xf32, #tpu.memory_space<vmem>>, vector<16xf32>,
      %parallel_loop3A_656 = vector.shape_cast %parallel_loop3A_655 : vector<16xf32> to vector<16xf32>
      %parallel_loop3A_657 = arith.constant 0.000000e+00 : f32
      %parallel_loop3A_658 = vector.broadcast %parallel_loop3A_657 : f32 to vector<16xf32>
      %parallel_loop3A_659 = arith.cmpf ogt, %parallel_loop3A_656, %parallel_loop3A_658 : vector<16xf32>
      %parallel_loop3A_660 = arith.select %parallel_loop3A_659, %mul3A_247, %broadcast_in_dim3A_249 : vector<16xi1>, vector<16xf32>
      %parallel_loop3A_661 = arith.minimumf %parallel_loop3A_613, %parallel_loop3A_660 : vector<16xf32>
      %parallel_loop3A_662 = arith.minimumf %parallel_loop3A_625, %parallel_loop3A_637 : vector<16xf32>
      %parallel_loop3A_663 = arith.minimumf %parallel_loop3A_649, %parallel_loop3A_661 : vector<16xf32>
      %parallel_loop3A_664 = arith.minimumf %parallel_loop3A_662, %parallel_loop3A_663 : vector<16xf32>
      %parallel_loop3A_665 = arith.addf %parallel_loop3A_664, %parallel_loop3A_277 : vector<16xf32>
      %parallel_loop3A_666 = arith.minimumf %parallel_loop3A_272, %parallel_loop3A_665 : vector<16xf32>
      scf.yield %parallel_loop3A_666 : vector<16xf32>
    } {sc.loop_unroll_factor = 4 : i64, sc.parallel_access}
    %dma_wait3A_258 = arith.constant 8192 : i32
    %dma_wait3A_259 = tpu.memref_slice %arg6[%dma_wait3A_258] : memref<16384xf32, #tpu.memory_space<vmem>> -> memref<8192xf32, #tpu.memory_space<vmem>>
    %dma_wait3A_260 = tpu.memref_slice %arg3[%mul3A_15] : memref<262144xf32, #tpu.memory_space<hbm>> -> memref<8192xf32, #tpu.memory_space<hbm>>
    %dma_wait3A_261 = arith.constant 8192 : i32
    %dma_wait3A_262 = tpu.memref_slice %arg6[%dma_wait3A_261] : memref<16384xf32, #tpu.memory_space<vmem>> -> memref<8192xf32, #tpu.memory_space<vmem>>
    %dma_wait3A_263 = tpu.memref_slice %arg3[%mul3A_15] : memref<262144xf32, #tpu.memory_space<hbm>> -> memref<8192xf32, #tpu.memory_space<hbm>>
    tpu.wait_dma2 semaphore(%arg9 : memref<!tpu.dma_semaphore, #tpu.memory_space<semaphore_mem>>) src(%dma_wait3A_263 : memref<8192xf32, #tpu.memory_space<hbm>>) dst(%dma_wait3A_262 : memref<8192xf32, #tpu.memory_space<vmem>>)
    %parallel_loop3A_264 = arith.constant 16 : i32
    %parallel_loop3A_265 = arith.constant 32 : i32
    %parallel_loop3A_266 = arith.constant 1 : i32
    %parallel_loop3A_267 = scf.for %parallel_loop3A_271 = %parallel_loop3A_264 to %parallel_loop3A_265 step %parallel_loop3A_266 iter_args(%parallel_loop3A_272 = %parallel_loop3A_257) -> (vector<16xf32>)  : i32 {
      %parallel_loop3A_273 = arith.addi %mul3A_2, %parallel_loop3A_271 : i32
      %parallel_loop3A_274 = arith.sitofp %parallel_loop3A_273 : i32 to f32
      %parallel_loop3A_275 = vector.broadcast %parallel_loop3A_274 : f32 to vector<16xf32>
      %parallel_loop3A_276 = arith.subf %parallel_loop3A_275, %broadcast_in_dim3A : vector<16xf32>
      %parallel_loop3A_277 = arith.mulf %parallel_loop3A_276, %parallel_loop3A_276 : vector<16xf32>
      %parallel_loop3A_278 = arith.constant 512 : i32
      %parallel_loop3A_279 = arith.muli %parallel_loop3A_271, %parallel_loop3A_278 : i32
      %parallel_loop3A_280 = arith.constant 0 : i32
      %parallel_loop3A_281 = arith.addi %parallel_loop3A_279, %parallel_loop3A_280 : i32
      %parallel_loop3A_282 = arith.index_cast %parallel_loop3A_281 : i32 to index
      %parallel_loop3A_283 = tpu.vector_load %arg6[%parallel_loop3A_282] {strides = array<i32>} : memref<16384xf32, #tpu.memory_space<vmem>>, vector<16xf32>,
      %parallel_loop3A_284 = vector.shape_cast %parallel_loop3A_283 : vector<16xf32> to vector<16xf32>
      %parallel_loop3A_285 = arith.constant 0.000000e+00 : f32
      %parallel_loop3A_286 = vector.broadcast %parallel_loop3A_285 : f32 to vector<16xf32>
      %parallel_loop3A_287 = arith.cmpf ogt, %parallel_loop3A_284, %parallel_loop3A_286 : vector<16xf32>
      %parallel_loop3A_288 = arith.select %parallel_loop3A_287, %mul3A_30, %broadcast_in_dim3A_249 : vector<16xi1>, vector<16xf32>
      %parallel_loop3A_289 = arith.minimumf %broadcast_in_dim3A_249, %parallel_loop3A_288 : vector<16xf32>
      %parallel_loop3A_290 = arith.constant 512 : i32
      %parallel_loop3A_291 = arith.muli %parallel_loop3A_271, %parallel_loop3A_290 : i32
      %parallel_loop3A_292 = arith.constant 16 : i32
      %parallel_loop3A_293 = arith.addi %parallel_loop3A_291, %parallel_loop3A_292 : i32
      %parallel_loop3A_294 = arith.index_cast %parallel_loop3A_293 : i32 to index
      %parallel_loop3A_295 = tpu.vector_load %arg6[%parallel_loop3A_294] {strides = array<i32>} : memref<16384xf32, #tpu.memory_space<vmem>>, vector<16xf32>,
      %parallel_loop3A_296 = vector.shape_cast %parallel_loop3A_295 : vector<16xf32> to vector<16xf32>
      %parallel_loop3A_297 = arith.constant 0.000000e+00 : f32
      %parallel_loop3A_298 = vector.broadcast %parallel_loop3A_297 : f32 to vector<16xf32>
      %parallel_loop3A_299 = arith.cmpf ogt, %parallel_loop3A_296, %parallel_loop3A_298 : vector<16xf32>
      %parallel_loop3A_300 = arith.select %parallel_loop3A_299, %mul3A_37, %broadcast_in_dim3A_249 : vector<16xi1>, vector<16xf32>
      %parallel_loop3A_301 = arith.minimumf %broadcast_in_dim3A_249, %parallel_loop3A_300 : vector<16xf32>
      %parallel_loop3A_302 = arith.constant 512 : i32
      %parallel_loop3A_303 = arith.muli %parallel_loop3A_271, %parallel_loop3A_302 : i32
      %parallel_loop3A_304 = arith.constant 32 : i32
      %parallel_loop3A_305 = arith.addi %parallel_loop3A_303, %parallel_loop3A_304 : i32
      %parallel_loop3A_306 = arith.index_cast %parallel_loop3A_305 : i32 to index
      %parallel_loop3A_307 = tpu.vector_load %arg6[%parallel_loop3A_306] {strides = array<i32>} : memref<16384xf32, #tpu.memory_space<vmem>>, vector<16xf32>,
      %parallel_loop3A_308 = vector.shape_cast %parallel_loop3A_307 : vector<16xf32> to vector<16xf32>
      %parallel_loop3A_309 = arith.constant 0.000000e+00 : f32
      %parallel_loop3A_310 = vector.broadcast %parallel_loop3A_309 : f32 to vector<16xf32>
      %parallel_loop3A_311 = arith.cmpf ogt, %parallel_loop3A_308, %parallel_loop3A_310 : vector<16xf32>
      %parallel_loop3A_312 = arith.select %parallel_loop3A_311, %mul3A_44, %broadcast_in_dim3A_249 : vector<16xi1>, vector<16xf32>
      %parallel_loop3A_313 = arith.minimumf %broadcast_in_dim3A_249, %parallel_loop3A_312 : vector<16xf32>
      %parallel_loop3A_314 = arith.constant 512 : i32
      %parallel_loop3A_315 = arith.muli %parallel_loop3A_271, %parallel_loop3A_314 : i32
      %parallel_loop3A_316 = arith.constant 48 : i32
      %parallel_loop3A_317 = arith.addi %parallel_loop3A_315, %parallel_loop3A_316 : i32
      %parallel_loop3A_318 = arith.index_cast %parallel_loop3A_317 : i32 to index
      %parallel_loop3A_319 = tpu.vector_load %arg6[%parallel_loop3A_318] {strides = array<i32>} : memref<16384xf32, #tpu.memory_space<vmem>>, vector<16xf32>,
      %parallel_loop3A_320 = vector.shape_cast %parallel_loop3A_319 : vector<16xf32> to vector<16xf32>
      %parallel_loop3A_321 = arith.constant 0.000000e+00 : f32
      %parallel_loop3A_322 = vector.broadcast %parallel_loop3A_321 : f32 to vector<16xf32>
      %parallel_loop3A_323 = arith.cmpf ogt, %parallel_loop3A_320, %parallel_loop3A_322 : vector<16xf32>
      %parallel_loop3A_324 = arith.select %parallel_loop3A_323, %mul3A_51, %broadcast_in_dim3A_249 : vector<16xi1>, vector<16xf32>
      %parallel_loop3A_325 = arith.minimumf %broadcast_in_dim3A_249, %parallel_loop3A_324 : vector<16xf32>
      %parallel_loop3A_326 = arith.constant 512 : i32
      %parallel_loop3A_327 = arith.muli %parallel_loop3A_271, %parallel_loop3A_326 : i32
      %parallel_loop3A_328 = arith.constant 64 : i32
      %parallel_loop3A_329 = arith.addi %parallel_loop3A_327, %parallel_loop3A_328 : i32
      %parallel_loop3A_330 = arith.index_cast %parallel_loop3A_329 : i32 to index
      %parallel_loop3A_331 = tpu.vector_load %arg6[%parallel_loop3A_330] {strides = array<i32>} : memref<16384xf32, #tpu.memory_space<vmem>>, vector<16xf32>,
      %parallel_loop3A_332 = vector.shape_cast %parallel_loop3A_331 : vector<16xf32> to vector<16xf32>
      %parallel_loop3A_333 = arith.constant 0.000000e+00 : f32
      %parallel_loop3A_334 = vector.broadcast %parallel_loop3A_333 : f32 to vector<16xf32>
      %parallel_loop3A_335 = arith.cmpf ogt, %parallel_loop3A_332, %parallel_loop3A_334 : vector<16xf32>
      %parallel_loop3A_336 = arith.select %parallel_loop3A_335, %mul3A_58, %broadcast_in_dim3A_249 : vector<16xi1>, vector<16xf32>
      %parallel_loop3A_337 = arith.minimumf %parallel_loop3A_289, %parallel_loop3A_336 : vector<16xf32>
      %parallel_loop3A_338 = arith.constant 512 : i32
      %parallel_loop3A_339 = arith.muli %parallel_loop3A_271, %parallel_loop3A_338 : i32
      %parallel_loop3A_340 = arith.constant 80 : i32
      %parallel_loop3A_341 = arith.addi %parallel_loop3A_339, %parallel_loop3A_340 : i32
      %parallel_loop3A_342 = arith.index_cast %parallel_loop3A_341 : i32 to index
      %parallel_loop3A_343 = tpu.vector_load %arg6[%parallel_loop3A_342] {strides = array<i32>} : memref<16384xf32, #tpu.memory_space<vmem>>, vector<16xf32>,
      %parallel_loop3A_344 = vector.shape_cast %parallel_loop3A_343 : vector<16xf32> to vector<16xf32>
      %parallel_loop3A_345 = arith.constant 0.000000e+00 : f32
      %parallel_loop3A_346 = vector.broadcast %parallel_loop3A_345 : f32 to vector<16xf32>
      %parallel_loop3A_347 = arith.cmpf ogt, %parallel_loop3A_344, %parallel_loop3A_346 : vector<16xf32>
      %parallel_loop3A_348 = arith.select %parallel_loop3A_347, %mul3A_65, %broadcast_in_dim3A_249 : vector<16xi1>, vector<16xf32>
      %parallel_loop3A_349 = arith.minimumf %parallel_loop3A_301, %parallel_loop3A_348 : vector<16xf32>
      %parallel_loop3A_350 = arith.constant 512 : i32
      %parallel_loop3A_351 = arith.muli %parallel_loop3A_271, %parallel_loop3A_350 : i32
      %parallel_loop3A_352 = arith.constant 96 : i32
      %parallel_loop3A_353 = arith.addi %parallel_loop3A_351, %parallel_loop3A_352 : i32
      %parallel_loop3A_354 = arith.index_cast %parallel_loop3A_353 : i32 to index
      %parallel_loop3A_355 = tpu.vector_load %arg6[%parallel_loop3A_354] {strides = array<i32>} : memref<16384xf32, #tpu.memory_space<vmem>>, vector<16xf32>,
      %parallel_loop3A_356 = vector.shape_cast %parallel_loop3A_355 : vector<16xf32> to vector<16xf32>
      %parallel_loop3A_357 = arith.constant 0.000000e+00 : f32
      %parallel_loop3A_358 = vector.broadcast %parallel_loop3A_357 : f32 to vector<16xf32>
      %parallel_loop3A_359 = arith.cmpf ogt, %parallel_loop3A_356, %parallel_loop3A_358 : vector<16xf32>
      %parallel_loop3A_360 = arith.select %parallel_loop3A_359, %mul3A_72, %broadcast_in_dim3A_249 : vector<16xi1>, vector<16xf32>
      %parallel_loop3A_361 = arith.minimumf %parallel_loop3A_313, %parallel_loop3A_360 : vector<16xf32>
      %parallel_loop3A_362 = arith.constant 512 : i32
      %parallel_loop3A_363 = arith.muli %parallel_loop3A_271, %parallel_loop3A_362 : i32
      %parallel_loop3A_364 = arith.constant 112 : i32
      %parallel_loop3A_365 = arith.addi %parallel_loop3A_363, %parallel_loop3A_364 : i32
      %parallel_loop3A_366 = arith.index_cast %parallel_loop3A_365 : i32 to index
      %parallel_loop3A_367 = tpu.vector_load %arg6[%parallel_loop3A_366] {strides = array<i32>} : memref<16384xf32, #tpu.memory_space<vmem>>, vector<16xf32>,
      %parallel_loop3A_368 = vector.shape_cast %parallel_loop3A_367 : vector<16xf32> to vector<16xf32>
      %parallel_loop3A_369 = arith.constant 0.000000e+00 : f32
      %parallel_loop3A_370 = vector.broadcast %parallel_loop3A_369 : f32 to vector<16xf32>
      %parallel_loop3A_371 = arith.cmpf ogt, %parallel_loop3A_368, %parallel_loop3A_370 : vector<16xf32>
      %parallel_loop3A_372 = arith.select %parallel_loop3A_371, %mul3A_79, %broadcast_in_dim3A_249 : vector<16xi1>, vector<16xf32>
      %parallel_loop3A_373 = arith.minimumf %parallel_loop3A_325, %parallel_loop3A_372 : vector<16xf32>
      %parallel_loop3A_374 = arith.constant 512 : i32
      %parallel_loop3A_375 = arith.muli %parallel_loop3A_271, %parallel_loop3A_374 : i32
      %parallel_loop3A_376 = arith.constant 128 : i32
      %parallel_loop3A_377 = arith.addi %parallel_loop3A_375, %parallel_loop3A_376 : i32
      %parallel_loop3A_378 = arith.index_cast %parallel_loop3A_377 : i32 to index
      %parallel_loop3A_379 = tpu.vector_load %arg6[%parallel_loop3A_378] {strides = array<i32>} : memref<16384xf32, #tpu.memory_space<vmem>>, vector<16xf32>,
      %parallel_loop3A_380 = vector.shape_cast %parallel_loop3A_379 : vector<16xf32> to vector<16xf32>
      %parallel_loop3A_381 = arith.constant 0.000000e+00 : f32
      %parallel_loop3A_382 = vector.broadcast %parallel_loop3A_381 : f32 to vector<16xf32>
      %parallel_loop3A_383 = arith.cmpf ogt, %parallel_loop3A_380, %parallel_loop3A_382 : vector<16xf32>
      %parallel_loop3A_384 = arith.select %parallel_loop3A_383, %mul3A_86, %broadcast_in_dim3A_249 : vector<16xi1>, vector<16xf32>
      %parallel_loop3A_385 = arith.minimumf %parallel_loop3A_337, %parallel_loop3A_384 : vector<16xf32>
      %parallel_loop3A_386 = arith.constant 512 : i32
      %parallel_loop3A_387 = arith.muli %parallel_loop3A_271, %parallel_loop3A_386 : i32
      %parallel_loop3A_388 = arith.constant 144 : i32
      %parallel_loop3A_389 = arith.addi %parallel_loop3A_387, %parallel_loop3A_388 : i32
      %parallel_loop3A_390 = arith.index_cast %parallel_loop3A_389 : i32 to index
      %parallel_loop3A_391 = tpu.vector_load %arg6[%parallel_loop3A_390] {strides = array<i32>} : memref<16384xf32, #tpu.memory_space<vmem>>, vector<16xf32>,
      %parallel_loop3A_392 = vector.shape_cast %parallel_loop3A_391 : vector<16xf32> to vector<16xf32>
      %parallel_loop3A_393 = arith.constant 0.000000e+00 : f32
      %parallel_loop3A_394 = vector.broadcast %parallel_loop3A_393 : f32 to vector<16xf32>
      %parallel_loop3A_395 = arith.cmpf ogt, %parallel_loop3A_392, %parallel_loop3A_394 : vector<16xf32>
      %parallel_loop3A_396 = arith.select %parallel_loop3A_395, %mul3A_93, %broadcast_in_dim3A_249 : vector<16xi1>, vector<16xf32>
      %parallel_loop3A_397 = arith.minimumf %parallel_loop3A_349, %parallel_loop3A_396 : vector<16xf32>
      %parallel_loop3A_398 = arith.constant 512 : i32
      %parallel_loop3A_399 = arith.muli %parallel_loop3A_271, %parallel_loop3A_398 : i32
      %parallel_loop3A_400 = arith.constant 160 : i32
      %parallel_loop3A_401 = arith.addi %parallel_loop3A_399, %parallel_loop3A_400 : i32
      %parallel_loop3A_402 = arith.index_cast %parallel_loop3A_401 : i32 to index
      %parallel_loop3A_403 = tpu.vector_load %arg6[%parallel_loop3A_402] {strides = array<i32>} : memref<16384xf32, #tpu.memory_space<vmem>>, vector<16xf32>,
      %parallel_loop3A_404 = vector.shape_cast %parallel_loop3A_403 : vector<16xf32> to vector<16xf32>
      %parallel_loop3A_405 = arith.constant 0.000000e+00 : f32
      %parallel_loop3A_406 = vector.broadcast %parallel_loop3A_405 : f32 to vector<16xf32>
      %parallel_loop3A_407 = arith.cmpf ogt, %parallel_loop3A_404, %parallel_loop3A_406 : vector<16xf32>
      %parallel_loop3A_408 = arith.select %parallel_loop3A_407, %mul3A_100, %broadcast_in_dim3A_249 : vector<16xi1>, vector<16xf32>
      %parallel_loop3A_409 = arith.minimumf %parallel_loop3A_361, %parallel_loop3A_408 : vector<16xf32>
      %parallel_loop3A_410 = arith.constant 512 : i32
      %parallel_loop3A_411 = arith.muli %parallel_loop3A_271, %parallel_loop3A_410 : i32
      %parallel_loop3A_412 = arith.constant 176 : i32
      %parallel_loop3A_413 = arith.addi %parallel_loop3A_411, %parallel_loop3A_412 : i32
      %parallel_loop3A_414 = arith.index_cast %parallel_loop3A_413 : i32 to index
      %parallel_loop3A_415 = tpu.vector_load %arg6[%parallel_loop3A_414] {strides = array<i32>} : memref<16384xf32, #tpu.memory_space<vmem>>, vector<16xf32>,
      %parallel_loop3A_416 = vector.shape_cast %parallel_loop3A_415 : vector<16xf32> to vector<16xf32>
      %parallel_loop3A_417 = arith.constant 0.000000e+00 : f32
      %parallel_loop3A_418 = vector.broadcast %parallel_loop3A_417 : f32 to vector<16xf32>
      %parallel_loop3A_419 = arith.cmpf ogt, %parallel_loop3A_416, %parallel_loop3A_418 : vector<16xf32>
      %parallel_loop3A_420 = arith.select %parallel_loop3A_419, %mul3A_107, %broadcast_in_dim3A_249 : vector<16xi1>, vector<16xf32>
      %parallel_loop3A_421 = arith.minimumf %parallel_loop3A_373, %parallel_loop3A_420 : vector<16xf32>
      %parallel_loop3A_422 = arith.constant 512 : i32
      %parallel_loop3A_423 = arith.muli %parallel_loop3A_271, %parallel_loop3A_422 : i32
      %parallel_loop3A_424 = arith.constant 192 : i32
      %parallel_loop3A_425 = arith.addi %parallel_loop3A_423, %parallel_loop3A_424 : i32
      %parallel_loop3A_426 = arith.index_cast %parallel_loop3A_425 : i32 to index
      %parallel_loop3A_427 = tpu.vector_load %arg6[%parallel_loop3A_426] {strides = array<i32>} : memref<16384xf32, #tpu.memory_space<vmem>>, vector<16xf32>,
      %parallel_loop3A_428 = vector.shape_cast %parallel_loop3A_427 : vector<16xf32> to vector<16xf32>
      %parallel_loop3A_429 = arith.constant 0.000000e+00 : f32
      %parallel_loop3A_430 = vector.broadcast %parallel_loop3A_429 : f32 to vector<16xf32>
      %parallel_loop3A_431 = arith.cmpf ogt, %parallel_loop3A_428, %parallel_loop3A_430 : vector<16xf32>
      %parallel_loop3A_432 = arith.select %parallel_loop3A_431, %mul3A_114, %broadcast_in_dim3A_249 : vector<16xi1>, vector<16xf32>
      %parallel_loop3A_433 = arith.minimumf %parallel_loop3A_385, %parallel_loop3A_432 : vector<16xf32>
      %parallel_loop3A_434 = arith.constant 512 : i32
      %parallel_loop3A_435 = arith.muli %parallel_loop3A_271, %parallel_loop3A_434 : i32
      %parallel_loop3A_436 = arith.constant 208 : i32
      %parallel_loop3A_437 = arith.addi %parallel_loop3A_435, %parallel_loop3A_436 : i32
      %parallel_loop3A_438 = arith.index_cast %parallel_loop3A_437 : i32 to index
      %parallel_loop3A_439 = tpu.vector_load %arg6[%parallel_loop3A_438] {strides = array<i32>} : memref<16384xf32, #tpu.memory_space<vmem>>, vector<16xf32>,
      %parallel_loop3A_440 = vector.shape_cast %parallel_loop3A_439 : vector<16xf32> to vector<16xf32>
      %parallel_loop3A_441 = arith.constant 0.000000e+00 : f32
      %parallel_loop3A_442 = vector.broadcast %parallel_loop3A_441 : f32 to vector<16xf32>
      %parallel_loop3A_443 = arith.cmpf ogt, %parallel_loop3A_440, %parallel_loop3A_442 : vector<16xf32>
      %parallel_loop3A_444 = arith.select %parallel_loop3A_443, %mul3A_121, %broadcast_in_dim3A_249 : vector<16xi1>, vector<16xf32>
      %parallel_loop3A_445 = arith.minimumf %parallel_loop3A_397, %parallel_loop3A_444 : vector<16xf32>
      %parallel_loop3A_446 = arith.constant 512 : i32
      %parallel_loop3A_447 = arith.muli %parallel_loop3A_271, %parallel_loop3A_446 : i32
      %parallel_loop3A_448 = arith.constant 224 : i32
      %parallel_loop3A_449 = arith.addi %parallel_loop3A_447, %parallel_loop3A_448 : i32
      %parallel_loop3A_450 = arith.index_cast %parallel_loop3A_449 : i32 to index
      %parallel_loop3A_451 = tpu.vector_load %arg6[%parallel_loop3A_450] {strides = array<i32>} : memref<16384xf32, #tpu.memory_space<vmem>>, vector<16xf32>,
      %parallel_loop3A_452 = vector.shape_cast %parallel_loop3A_451 : vector<16xf32> to vector<16xf32>
      %parallel_loop3A_453 = arith.constant 0.000000e+00 : f32
      %parallel_loop3A_454 = vector.broadcast %parallel_loop3A_453 : f32 to vector<16xf32>
      %parallel_loop3A_455 = arith.cmpf ogt, %parallel_loop3A_452, %parallel_loop3A_454 : vector<16xf32>
      %parallel_loop3A_456 = arith.select %parallel_loop3A_455, %mul3A_128, %broadcast_in_dim3A_249 : vector<16xi1>, vector<16xf32>
      %parallel_loop3A_457 = arith.minimumf %parallel_loop3A_409, %parallel_loop3A_456 : vector<16xf32>
      %parallel_loop3A_458 = arith.constant 512 : i32
      %parallel_loop3A_459 = arith.muli %parallel_loop3A_271, %parallel_loop3A_458 : i32
      %parallel_loop3A_460 = arith.constant 240 : i32
      %parallel_loop3A_461 = arith.addi %parallel_loop3A_459, %parallel_loop3A_460 : i32
      %parallel_loop3A_462 = arith.index_cast %parallel_loop3A_461 : i32 to index
      %parallel_loop3A_463 = tpu.vector_load %arg6[%parallel_loop3A_462] {strides = array<i32>} : memref<16384xf32, #tpu.memory_space<vmem>>, vector<16xf32>,
      %parallel_loop3A_464 = vector.shape_cast %parallel_loop3A_463 : vector<16xf32> to vector<16xf32>
      %parallel_loop3A_465 = arith.constant 0.000000e+00 : f32
      %parallel_loop3A_466 = vector.broadcast %parallel_loop3A_465 : f32 to vector<16xf32>
      %parallel_loop3A_467 = arith.cmpf ogt, %parallel_loop3A_464, %parallel_loop3A_466 : vector<16xf32>
      %parallel_loop3A_468 = arith.select %parallel_loop3A_467, %mul3A_135, %broadcast_in_dim3A_249 : vector<16xi1>, vector<16xf32>
      %parallel_loop3A_469 = arith.minimumf %parallel_loop3A_421, %parallel_loop3A_468 : vector<16xf32>
      %parallel_loop3A_470 = arith.constant 512 : i32
      %parallel_loop3A_471 = arith.muli %parallel_loop3A_271, %parallel_loop3A_470 : i32
      %parallel_loop3A_472 = arith.constant 256 : i32
      %parallel_loop3A_473 = arith.addi %parallel_loop3A_471, %parallel_loop3A_472 : i32
      %parallel_loop3A_474 = arith.index_cast %parallel_loop3A_473 : i32 to index
      %parallel_loop3A_475 = tpu.vector_load %arg6[%parallel_loop3A_474] {strides = array<i32>} : memref<16384xf32, #tpu.memory_space<vmem>>, vector<16xf32>,
      %parallel_loop3A_476 = vector.shape_cast %parallel_loop3A_475 : vector<16xf32> to vector<16xf32>
      %parallel_loop3A_477 = arith.constant 0.000000e+00 : f32
      %parallel_loop3A_478 = vector.broadcast %parallel_loop3A_477 : f32 to vector<16xf32>
      %parallel_loop3A_479 = arith.cmpf ogt, %parallel_loop3A_476, %parallel_loop3A_478 : vector<16xf32>
      %parallel_loop3A_480 = arith.select %parallel_loop3A_479, %mul3A_142, %broadcast_in_dim3A_249 : vector<16xi1>, vector<16xf32>
      %parallel_loop3A_481 = arith.minimumf %parallel_loop3A_433, %parallel_loop3A_480 : vector<16xf32>
      %parallel_loop3A_482 = arith.constant 512 : i32
      %parallel_loop3A_483 = arith.muli %parallel_loop3A_271, %parallel_loop3A_482 : i32
      %parallel_loop3A_484 = arith.constant 272 : i32
      %parallel_loop3A_485 = arith.addi %parallel_loop3A_483, %parallel_loop3A_484 : i32
      %parallel_loop3A_486 = arith.index_cast %parallel_loop3A_485 : i32 to index
      %parallel_loop3A_487 = tpu.vector_load %arg6[%parallel_loop3A_486] {strides = array<i32>} : memref<16384xf32, #tpu.memory_space<vmem>>, vector<16xf32>,
      %parallel_loop3A_488 = vector.shape_cast %parallel_loop3A_487 : vector<16xf32> to vector<16xf32>
      %parallel_loop3A_489 = arith.constant 0.000000e+00 : f32
      %parallel_loop3A_490 = vector.broadcast %parallel_loop3A_489 : f32 to vector<16xf32>
      %parallel_loop3A_491 = arith.cmpf ogt, %parallel_loop3A_488, %parallel_loop3A_490 : vector<16xf32>
      %parallel_loop3A_492 = arith.select %parallel_loop3A_491, %mul3A_149, %broadcast_in_dim3A_249 : vector<16xi1>, vector<16xf32>
      %parallel_loop3A_493 = arith.minimumf %parallel_loop3A_445, %parallel_loop3A_492 : vector<16xf32>
      %parallel_loop3A_494 = arith.constant 512 : i32
      %parallel_loop3A_495 = arith.muli %parallel_loop3A_271, %parallel_loop3A_494 : i32
      %parallel_loop3A_496 = arith.constant 288 : i32
      %parallel_loop3A_497 = arith.addi %parallel_loop3A_495, %parallel_loop3A_496 : i32
      %parallel_loop3A_498 = arith.index_cast %parallel_loop3A_497 : i32 to index
      %parallel_loop3A_499 = tpu.vector_load %arg6[%parallel_loop3A_498] {strides = array<i32>} : memref<16384xf32, #tpu.memory_space<vmem>>, vector<16xf32>,
      %parallel_loop3A_500 = vector.shape_cast %parallel_loop3A_499 : vector<16xf32> to vector<16xf32>
      %parallel_loop3A_501 = arith.constant 0.000000e+00 : f32
      %parallel_loop3A_502 = vector.broadcast %parallel_loop3A_501 : f32 to vector<16xf32>
      %parallel_loop3A_503 = arith.cmpf ogt, %parallel_loop3A_500, %parallel_loop3A_502 : vector<16xf32>
      %parallel_loop3A_504 = arith.select %parallel_loop3A_503, %mul3A_156, %broadcast_in_dim3A_249 : vector<16xi1>, vector<16xf32>
      %parallel_loop3A_505 = arith.minimumf %parallel_loop3A_457, %parallel_loop3A_504 : vector<16xf32>
      %parallel_loop3A_506 = arith.constant 512 : i32
      %parallel_loop3A_507 = arith.muli %parallel_loop3A_271, %parallel_loop3A_506 : i32
      %parallel_loop3A_508 = arith.constant 304 : i32
      %parallel_loop3A_509 = arith.addi %parallel_loop3A_507, %parallel_loop3A_508 : i32
      %parallel_loop3A_510 = arith.index_cast %parallel_loop3A_509 : i32 to index
      %parallel_loop3A_511 = tpu.vector_load %arg6[%parallel_loop3A_510] {strides = array<i32>} : memref<16384xf32, #tpu.memory_space<vmem>>, vector<16xf32>,
      %parallel_loop3A_512 = vector.shape_cast %parallel_loop3A_511 : vector<16xf32> to vector<16xf32>
      %parallel_loop3A_513 = arith.constant 0.000000e+00 : f32
      %parallel_loop3A_514 = vector.broadcast %parallel_loop3A_513 : f32 to vector<16xf32>
      %parallel_loop3A_515 = arith.cmpf ogt, %parallel_loop3A_512, %parallel_loop3A_514 : vector<16xf32>
      %parallel_loop3A_516 = arith.select %parallel_loop3A_515, %mul3A_163, %broadcast_in_dim3A_249 : vector<16xi1>, vector<16xf32>
      %parallel_loop3A_517 = arith.minimumf %parallel_loop3A_469, %parallel_loop3A_516 : vector<16xf32>
      %parallel_loop3A_518 = arith.constant 512 : i32
      %parallel_loop3A_519 = arith.muli %parallel_loop3A_271, %parallel_loop3A_518 : i32
      %parallel_loop3A_520 = arith.constant 320 : i32
      %parallel_loop3A_521 = arith.addi %parallel_loop3A_519, %parallel_loop3A_520 : i32
      %parallel_loop3A_522 = arith.index_cast %parallel_loop3A_521 : i32 to index
      %parallel_loop3A_523 = tpu.vector_load %arg6[%parallel_loop3A_522] {strides = array<i32>} : memref<16384xf32, #tpu.memory_space<vmem>>, vector<16xf32>,
      %parallel_loop3A_524 = vector.shape_cast %parallel_loop3A_523 : vector<16xf32> to vector<16xf32>
      %parallel_loop3A_525 = arith.constant 0.000000e+00 : f32
      %parallel_loop3A_526 = vector.broadcast %parallel_loop3A_525 : f32 to vector<16xf32>
      %parallel_loop3A_527 = arith.cmpf ogt, %parallel_loop3A_524, %parallel_loop3A_526 : vector<16xf32>
      %parallel_loop3A_528 = arith.select %parallel_loop3A_527, %mul3A_170, %broadcast_in_dim3A_249 : vector<16xi1>, vector<16xf32>
      %parallel_loop3A_529 = arith.minimumf %parallel_loop3A_481, %parallel_loop3A_528 : vector<16xf32>
      %parallel_loop3A_530 = arith.constant 512 : i32
      %parallel_loop3A_531 = arith.muli %parallel_loop3A_271, %parallel_loop3A_530 : i32
      %parallel_loop3A_532 = arith.constant 336 : i32
      %parallel_loop3A_533 = arith.addi %parallel_loop3A_531, %parallel_loop3A_532 : i32
      %parallel_loop3A_534 = arith.index_cast %parallel_loop3A_533 : i32 to index
      %parallel_loop3A_535 = tpu.vector_load %arg6[%parallel_loop3A_534] {strides = array<i32>} : memref<16384xf32, #tpu.memory_space<vmem>>, vector<16xf32>,
      %parallel_loop3A_536 = vector.shape_cast %parallel_loop3A_535 : vector<16xf32> to vector<16xf32>
      %parallel_loop3A_537 = arith.constant 0.000000e+00 : f32
      %parallel_loop3A_538 = vector.broadcast %parallel_loop3A_537 : f32 to vector<16xf32>
      %parallel_loop3A_539 = arith.cmpf ogt, %parallel_loop3A_536, %parallel_loop3A_538 : vector<16xf32>
      %parallel_loop3A_540 = arith.select %parallel_loop3A_539, %mul3A_177, %broadcast_in_dim3A_249 : vector<16xi1>, vector<16xf32>
      %parallel_loop3A_541 = arith.minimumf %parallel_loop3A_493, %parallel_loop3A_540 : vector<16xf32>
      %parallel_loop3A_542 = arith.constant 512 : i32
      %parallel_loop3A_543 = arith.muli %parallel_loop3A_271, %parallel_loop3A_542 : i32
      %parallel_loop3A_544 = arith.constant 352 : i32
      %parallel_loop3A_545 = arith.addi %parallel_loop3A_543, %parallel_loop3A_544 : i32
      %parallel_loop3A_546 = arith.index_cast %parallel_loop3A_545 : i32 to index
      %parallel_loop3A_547 = tpu.vector_load %arg6[%parallel_loop3A_546] {strides = array<i32>} : memref<16384xf32, #tpu.memory_space<vmem>>, vector<16xf32>,
      %parallel_loop3A_548 = vector.shape_cast %parallel_loop3A_547 : vector<16xf32> to vector<16xf32>
      %parallel_loop3A_549 = arith.constant 0.000000e+00 : f32
      %parallel_loop3A_550 = vector.broadcast %parallel_loop3A_549 : f32 to vector<16xf32>
      %parallel_loop3A_551 = arith.cmpf ogt, %parallel_loop3A_548, %parallel_loop3A_550 : vector<16xf32>
      %parallel_loop3A_552 = arith.select %parallel_loop3A_551, %mul3A_184, %broadcast_in_dim3A_249 : vector<16xi1>, vector<16xf32>
      %parallel_loop3A_553 = arith.minimumf %parallel_loop3A_505, %parallel_loop3A_552 : vector<16xf32>
      %parallel_loop3A_554 = arith.constant 512 : i32
      %parallel_loop3A_555 = arith.muli %parallel_loop3A_271, %parallel_loop3A_554 : i32
      %parallel_loop3A_556 = arith.constant 368 : i32
      %parallel_loop3A_557 = arith.addi %parallel_loop3A_555, %parallel_loop3A_556 : i32
      %parallel_loop3A_558 = arith.index_cast %parallel_loop3A_557 : i32 to index
      %parallel_loop3A_559 = tpu.vector_load %arg6[%parallel_loop3A_558] {strides = array<i32>} : memref<16384xf32, #tpu.memory_space<vmem>>, vector<16xf32>,
      %parallel_loop3A_560 = vector.shape_cast %parallel_loop3A_559 : vector<16xf32> to vector<16xf32>
      %parallel_loop3A_561 = arith.constant 0.000000e+00 : f32
      %parallel_loop3A_562 = vector.broadcast %parallel_loop3A_561 : f32 to vector<16xf32>
      %parallel_loop3A_563 = arith.cmpf ogt, %parallel_loop3A_560, %parallel_loop3A_562 : vector<16xf32>
      %parallel_loop3A_564 = arith.select %parallel_loop3A_563, %mul3A_191, %broadcast_in_dim3A_249 : vector<16xi1>, vector<16xf32>
      %parallel_loop3A_565 = arith.minimumf %parallel_loop3A_517, %parallel_loop3A_564 : vector<16xf32>
      %parallel_loop3A_566 = arith.constant 512 : i32
      %parallel_loop3A_567 = arith.muli %parallel_loop3A_271, %parallel_loop3A_566 : i32
      %parallel_loop3A_568 = arith.constant 384 : i32
      %parallel_loop3A_569 = arith.addi %parallel_loop3A_567, %parallel_loop3A_568 : i32
      %parallel_loop3A_570 = arith.index_cast %parallel_loop3A_569 : i32 to index
      %parallel_loop3A_571 = tpu.vector_load %arg6[%parallel_loop3A_570] {strides = array<i32>} : memref<16384xf32, #tpu.memory_space<vmem>>, vector<16xf32>,
      %parallel_loop3A_572 = vector.shape_cast %parallel_loop3A_571 : vector<16xf32> to vector<16xf32>
      %parallel_loop3A_573 = arith.constant 0.000000e+00 : f32
      %parallel_loop3A_574 = vector.broadcast %parallel_loop3A_573 : f32 to vector<16xf32>
      %parallel_loop3A_575 = arith.cmpf ogt, %parallel_loop3A_572, %parallel_loop3A_574 : vector<16xf32>
      %parallel_loop3A_576 = arith.select %parallel_loop3A_575, %mul3A_198, %broadcast_in_dim3A_249 : vector<16xi1>, vector<16xf32>
      %parallel_loop3A_577 = arith.minimumf %parallel_loop3A_529, %parallel_loop3A_576 : vector<16xf32>
      %parallel_loop3A_578 = arith.constant 512 : i32
      %parallel_loop3A_579 = arith.muli %parallel_loop3A_271, %parallel_loop3A_578 : i32
      %parallel_loop3A_580 = arith.constant 400 : i32
      %parallel_loop3A_581 = arith.addi %parallel_loop3A_579, %parallel_loop3A_580 : i32
      %parallel_loop3A_582 = arith.index_cast %parallel_loop3A_581 : i32 to index
      %parallel_loop3A_583 = tpu.vector_load %arg6[%parallel_loop3A_582] {strides = array<i32>} : memref<16384xf32, #tpu.memory_space<vmem>>, vector<16xf32>,
      %parallel_loop3A_584 = vector.shape_cast %parallel_loop3A_583 : vector<16xf32> to vector<16xf32>
      %parallel_loop3A_585 = arith.constant 0.000000e+00 : f32
      %parallel_loop3A_586 = vector.broadcast %parallel_loop3A_585 : f32 to vector<16xf32>
      %parallel_loop3A_587 = arith.cmpf ogt, %parallel_loop3A_584, %parallel_loop3A_586 : vector<16xf32>
      %parallel_loop3A_588 = arith.select %parallel_loop3A_587, %mul3A_205, %broadcast_in_dim3A_249 : vector<16xi1>, vector<16xf32>
      %parallel_loop3A_589 = arith.minimumf %parallel_loop3A_541, %parallel_loop3A_588 : vector<16xf32>
      %parallel_loop3A_590 = arith.constant 512 : i32
      %parallel_loop3A_591 = arith.muli %parallel_loop3A_271, %parallel_loop3A_590 : i32
      %parallel_loop3A_592 = arith.constant 416 : i32
      %parallel_loop3A_593 = arith.addi %parallel_loop3A_591, %parallel_loop3A_592 : i32
      %parallel_loop3A_594 = arith.index_cast %parallel_loop3A_593 : i32 to index
      %parallel_loop3A_595 = tpu.vector_load %arg6[%parallel_loop3A_594] {strides = array<i32>} : memref<16384xf32, #tpu.memory_space<vmem>>, vector<16xf32>,
      %parallel_loop3A_596 = vector.shape_cast %parallel_loop3A_595 : vector<16xf32> to vector<16xf32>
      %parallel_loop3A_597 = arith.constant 0.000000e+00 : f32
      %parallel_loop3A_598 = vector.broadcast %parallel_loop3A_597 : f32 to vector<16xf32>
      %parallel_loop3A_599 = arith.cmpf ogt, %parallel_loop3A_596, %parallel_loop3A_598 : vector<16xf32>
      %parallel_loop3A_600 = arith.select %parallel_loop3A_599, %mul3A_212, %broadcast_in_dim3A_249 : vector<16xi1>, vector<16xf32>
      %parallel_loop3A_601 = arith.minimumf %parallel_loop3A_553, %parallel_loop3A_600 : vector<16xf32>
      %parallel_loop3A_602 = arith.constant 512 : i32
      %parallel_loop3A_603 = arith.muli %parallel_loop3A_271, %parallel_loop3A_602 : i32
      %parallel_loop3A_604 = arith.constant 432 : i32
      %parallel_loop3A_605 = arith.addi %parallel_loop3A_603, %parallel_loop3A_604 : i32
      %parallel_loop3A_606 = arith.index_cast %parallel_loop3A_605 : i32 to index
      %parallel_loop3A_607 = tpu.vector_load %arg6[%parallel_loop3A_606] {strides = array<i32>} : memref<16384xf32, #tpu.memory_space<vmem>>, vector<16xf32>,
      %parallel_loop3A_608 = vector.shape_cast %parallel_loop3A_607 : vector<16xf32> to vector<16xf32>
      %parallel_loop3A_609 = arith.constant 0.000000e+00 : f32
      %parallel_loop3A_610 = vector.broadcast %parallel_loop3A_609 : f32 to vector<16xf32>
      %parallel_loop3A_611 = arith.cmpf ogt, %parallel_loop3A_608, %parallel_loop3A_610 : vector<16xf32>
      %parallel_loop3A_612 = arith.select %parallel_loop3A_611, %mul3A_219, %broadcast_in_dim3A_249 : vector<16xi1>, vector<16xf32>
      %parallel_loop3A_613 = arith.minimumf %parallel_loop3A_565, %parallel_loop3A_612 : vector<16xf32>
      %parallel_loop3A_614 = arith.constant 512 : i32
      %parallel_loop3A_615 = arith.muli %parallel_loop3A_271, %parallel_loop3A_614 : i32
      %parallel_loop3A_616 = arith.constant 448 : i32
      %parallel_loop3A_617 = arith.addi %parallel_loop3A_615, %parallel_loop3A_616 : i32
      %parallel_loop3A_618 = arith.index_cast %parallel_loop3A_617 : i32 to index
      %parallel_loop3A_619 = tpu.vector_load %arg6[%parallel_loop3A_618] {strides = array<i32>} : memref<16384xf32, #tpu.memory_space<vmem>>, vector<16xf32>,
      %parallel_loop3A_620 = vector.shape_cast %parallel_loop3A_619 : vector<16xf32> to vector<16xf32>
      %parallel_loop3A_621 = arith.constant 0.000000e+00 : f32
      %parallel_loop3A_622 = vector.broadcast %parallel_loop3A_621 : f32 to vector<16xf32>
      %parallel_loop3A_623 = arith.cmpf ogt, %parallel_loop3A_620, %parallel_loop3A_622 : vector<16xf32>
      %parallel_loop3A_624 = arith.select %parallel_loop3A_623, %mul3A_226, %broadcast_in_dim3A_249 : vector<16xi1>, vector<16xf32>
      %parallel_loop3A_625 = arith.minimumf %parallel_loop3A_577, %parallel_loop3A_624 : vector<16xf32>
      %parallel_loop3A_626 = arith.constant 512 : i32
      %parallel_loop3A_627 = arith.muli %parallel_loop3A_271, %parallel_loop3A_626 : i32
      %parallel_loop3A_628 = arith.constant 464 : i32
      %parallel_loop3A_629 = arith.addi %parallel_loop3A_627, %parallel_loop3A_628 : i32
      %parallel_loop3A_630 = arith.index_cast %parallel_loop3A_629 : i32 to index
      %parallel_loop3A_631 = tpu.vector_load %arg6[%parallel_loop3A_630] {strides = array<i32>} : memref<16384xf32, #tpu.memory_space<vmem>>, vector<16xf32>,
      %parallel_loop3A_632 = vector.shape_cast %parallel_loop3A_631 : vector<16xf32> to vector<16xf32>
      %parallel_loop3A_633 = arith.constant 0.000000e+00 : f32
      %parallel_loop3A_634 = vector.broadcast %parallel_loop3A_633 : f32 to vector<16xf32>
      %parallel_loop3A_635 = arith.cmpf ogt, %parallel_loop3A_632, %parallel_loop3A_634 : vector<16xf32>
      %parallel_loop3A_636 = arith.select %parallel_loop3A_635, %mul3A_233, %broadcast_in_dim3A_249 : vector<16xi1>, vector<16xf32>
      %parallel_loop3A_637 = arith.minimumf %parallel_loop3A_589, %parallel_loop3A_636 : vector<16xf32>
      %parallel_loop3A_638 = arith.constant 512 : i32
      %parallel_loop3A_639 = arith.muli %parallel_loop3A_271, %parallel_loop3A_638 : i32
      %parallel_loop3A_640 = arith.constant 480 : i32
      %parallel_loop3A_641 = arith.addi %parallel_loop3A_639, %parallel_loop3A_640 : i32
      %parallel_loop3A_642 = arith.index_cast %parallel_loop3A_641 : i32 to index
      %parallel_loop3A_643 = tpu.vector_load %arg6[%parallel_loop3A_642] {strides = array<i32>} : memref<16384xf32, #tpu.memory_space<vmem>>, vector<16xf32>,
      %parallel_loop3A_644 = vector.shape_cast %parallel_loop3A_643 : vector<16xf32> to vector<16xf32>
      %parallel_loop3A_645 = arith.constant 0.000000e+00 : f32
      %parallel_loop3A_646 = vector.broadcast %parallel_loop3A_645 : f32 to vector<16xf32>
      %parallel_loop3A_647 = arith.cmpf ogt, %parallel_loop3A_644, %parallel_loop3A_646 : vector<16xf32>
      %parallel_loop3A_648 = arith.select %parallel_loop3A_647, %mul3A_240, %broadcast_in_dim3A_249 : vector<16xi1>, vector<16xf32>
      %parallel_loop3A_649 = arith.minimumf %parallel_loop3A_601, %parallel_loop3A_648 : vector<16xf32>
      %parallel_loop3A_650 = arith.constant 512 : i32
      %parallel_loop3A_651 = arith.muli %parallel_loop3A_271, %parallel_loop3A_650 : i32
      %parallel_loop3A_652 = arith.constant 496 : i32
      %parallel_loop3A_653 = arith.addi %parallel_loop3A_651, %parallel_loop3A_652 : i32
      %parallel_loop3A_654 = arith.index_cast %parallel_loop3A_653 : i32 to index
      %parallel_loop3A_655 = tpu.vector_load %arg6[%parallel_loop3A_654] {strides = array<i32>} : memref<16384xf32, #tpu.memory_space<vmem>>, vector<16xf32>,
      %parallel_loop3A_656 = vector.shape_cast %parallel_loop3A_655 : vector<16xf32> to vector<16xf32>
      %parallel_loop3A_657 = arith.constant 0.000000e+00 : f32
      %parallel_loop3A_658 = vector.broadcast %parallel_loop3A_657 : f32 to vector<16xf32>
      %parallel_loop3A_659 = arith.cmpf ogt, %parallel_loop3A_656, %parallel_loop3A_658 : vector<16xf32>
      %parallel_loop3A_660 = arith.select %parallel_loop3A_659, %mul3A_247, %broadcast_in_dim3A_249 : vector<16xi1>, vector<16xf32>
      %parallel_loop3A_661 = arith.minimumf %parallel_loop3A_613, %parallel_loop3A_660 : vector<16xf32>
      %parallel_loop3A_662 = arith.minimumf %parallel_loop3A_625, %parallel_loop3A_637 : vector<16xf32>
      %parallel_loop3A_663 = arith.minimumf %parallel_loop3A_649, %parallel_loop3A_661 : vector<16xf32>
      %parallel_loop3A_664 = arith.minimumf %parallel_loop3A_662, %parallel_loop3A_663 : vector<16xf32>
      %parallel_loop3A_665 = arith.addf %parallel_loop3A_664, %parallel_loop3A_277 : vector<16xf32>
      %parallel_loop3A_666 = arith.minimumf %parallel_loop3A_272, %parallel_loop3A_665 : vector<16xf32>
      scf.yield %parallel_loop3A_666 : vector<16xf32>
    } {sc.loop_unroll_factor = 4 : i64, sc.parallel_access}
    %swap3A = arith.constant 0 : index
    %swap3A_268 = tpu.vector_load %arg7[%swap3A] {strides = array<i32>} : memref<16xf32, #tpu.memory_space<vmem>>, vector<16xf32>,
    %swap3A_269 = vector.shape_cast %swap3A_268 : vector<16xf32> to vector<16xf32>
    %swap3A_270 = vector.shape_cast %parallel_loop3A_267 : vector<16xf32> to vector<16xf32>
    tpu.vector_store %arg7[%swap3A], %swap3A_270 {strides = array<i32>} : memref<16xf32, #tpu.memory_space<vmem>>, vector<16xf32>,
    "tpu.region"() ({
      %run_scoped3A = tpu.sem_alloc : memref<!tpu.dma_semaphore, #tpu.memory_space<semaphore_mem>>
      %dma_start3A_271 = arith.constant 0 : i32
      %dma_start3A_272 = tpu.memref_slice %arg4[%add3A, %dma_start3A_271] : memref<16x16xf32, #tpu.memory_space<hbm>> -> memref<1x16xf32, #tpu.memory_space<hbm>>
      %dma_start3A_273 = tpu.memref_squeeze %dma_start3A_272 : memref<1x16xf32, #tpu.memory_space<hbm>> -> memref<16xf32, #tpu.memory_space<hbm>>
      %dma_start3A_274 = arith.constant 0 : i32
      %dma_start3A_275 = tpu.memref_slice %arg4[%add3A, %dma_start3A_274] : memref<16x16xf32, #tpu.memory_space<hbm>> -> memref<1x16xf32, #tpu.memory_space<hbm>>
      %dma_start3A_276 = tpu.memref_squeeze %dma_start3A_275 : memref<1x16xf32, #tpu.memory_space<hbm>> -> memref<16xf32, #tpu.memory_space<hbm>>
      tpu.enqueue_dma source(%arg7 : memref<16xf32, #tpu.memory_space<vmem>>) target(%dma_start3A_276 : memref<16xf32, #tpu.memory_space<hbm>>) target_semaphore(%run_scoped3A : memref<!tpu.dma_semaphore, #tpu.memory_space<semaphore_mem>>)
      %dma_wait3A_277 = arith.constant 0 : i32
      %dma_wait3A_278 = tpu.memref_slice %arg4[%add3A, %dma_wait3A_277] : memref<16x16xf32, #tpu.memory_space<hbm>> -> memref<1x16xf32, #tpu.memory_space<hbm>>
      %dma_wait3A_279 = tpu.memref_squeeze %dma_wait3A_278 : memref<1x16xf32, #tpu.memory_space<hbm>> -> memref<16xf32, #tpu.memory_space<hbm>>
      %dma_wait3A_280 = arith.constant 0 : i32
      %dma_wait3A_281 = tpu.memref_slice %arg4[%add3A, %dma_wait3A_280] : memref<16x16xf32, #tpu.memory_space<hbm>> -> memref<1x16xf32, #tpu.memory_space<hbm>>
      %dma_wait3A_282 = tpu.memref_squeeze %dma_wait3A_281 : memref<1x16xf32, #tpu.memory_space<hbm>> -> memref<16xf32, #tpu.memory_space<hbm>>
      tpu.wait_dma2 semaphore(%run_scoped3A : memref<!tpu.dma_semaphore, #tpu.memory_space<semaphore_mem>>) src(%arg7 : memref<16xf32, #tpu.memory_space<vmem>>) dst(%dma_wait3A_282 : memref<16xf32, #tpu.memory_space<hbm>>)
      tpu.yield
    }) : () -> ()
    return
  }
}

</mosaic_0001>

<sc_bundles>
// kernel: _point_to_mask_min_d2.3.cloned.1.call-start
scs
__scs_entry_jumppad:
0x0: {  	(pc) =	sbr.rel $0x88, $3  }
0x1: {  	(tag) =	ssettag $0x0;
	lr =	simm.s32 $0x1  }
0x2: {  	[smem:$0x3F9F] =	sst lr;
	_ =	strace $0xD0000000  }
0x3: {  	_ = 	snop  }
0x4: {  	_ = 	snop  }
0x5: {  	_ = 	snop  }
0x6: {  	_ = 	snop  }
0x7: {  	_ = 	snop  }
__scs_overlays_trampoline_lowered:
0x8: {  	[smem:$0x3FAE] =	sst s0  }
0x9: {  	[smem:$0x3FAF] =	sst s1  }
0xa: {  	[smem:$0x3FB0] =	sst s2  }
0xb: {  	[smem:$0x3FB1] =	sst s3  }
0xc: {  	[smem:$0x3FB2] =	sst s4  }
0xd: {  	[smem:$0x3FB3] =	sst s5  }
0xe: {  	[smem:$0x3FB4] =	sst s6  }
0xf: {  	[smem:$0x3FB5] =	sst s7  }
0x10: {  	[smem:$0x3FB6] =	sst s8  }
0x11: {  	[smem:$0x3FB7] =	sst s9;
	s0 =	simm.s32 @!p0 $0x0  }
0x12: {  	s1 =	sld [smem:$0x3F9D];
	s0 =	simm.s32 @p0 $0x1  }
0x13: {  	[smem:$0x3FB8] =	sst s0;
	s0 =	simm.s32 @!p1 $0x0  }
0x14: {  	s2 =	sld [smem:$0x3F9C];
	s0 =	simm.s32 @p1 $0x1  }
0x15: {  	[smem:$0x3FB9] =	sst s0;
	s0 =	simm.s32 @!p2 $0x0  }
0x16: {  	s3 =	sld [smem:$0x3FDB];
	s0 =	simm.s32 @p2 $0x1  }
0x17: {  	s4 =	simm.s32 $0x1BF5;
	[smem:$0x3FBB] =	sst s0  }
0x18: {  	s0 =	sld [smem:$0x3F9E];
	_ =	swait.ge [sflag:s4], $0x0  }
0x19: {  	s7 =	sld [smem:$0x3F9F]  }
0x1a: {  	s8 =	sadd.s32 $0xFFFFE003, lr  }
0x1b: {  	s9 =	sadd.s32 $0xFFFFFEF7, lr;
	s5 =	simm.s32 $0xFFFFFFFF;
	p2 =	slt.u32 s8, $0xFFFFF086  }
0x1c: {  	p1 =	slt.u32 s9, $0xF7A;
	s5 =	simm.s32 @!p2 $0x0  }
0x1d: {  	s5 =	simm.s32 @p1 $0x1;
	p0 =	seq.s32 s7, s2  }
0x1e: {  	s7 =	smul.u32 @!p0 $0xF7A, s2;
	p2 =	seq.s32 @!p0 s5, $0x0  }
0x1f: {  	s9 =	smul.u32 $0xF7A, s1;
	s8 =	simm.s32 @!p0 $0x1BF5;
	p2 =	por !p2, p0  }
0x20: {  	[sflag:s8] =	ssyncset.s32 @!p0 $0xFFFFF086;
	s6 =	sadd.s32 @!p0 s3, s7;
	s7 =	simm.s32 @!p0 $0x108  }
0x21: {  	s3 =	sadd.s32 s3, s9;
	s6 =	sadd.s32 @!p0 $0x88, s6;
	s7 =	simm.s32 @p2 $0x1082  }
0x22: {  	[simem:s7], [sflag:s8] =	dma.local @!p0 [hbm:s6], $0xF7A  }
0x23: {  	s9 =	sor.u32 $0xD0000000, s2;
	s6 =	simm.s32 $0x108;
	_ =	swait.ge @!p0 [sflag:s8], $0x0  }
0x24: {  	s3 =	sadd.s32 $0x88, s3;
	s6 =	simm.s32 @!p1 $0x1082;
	[sflag:s4] =	ssyncset.s32 $0xFFFFF086  }
0x25: {  	[simem:s6], [sflag:s4] =	dma.local [hbm:s3], $0xF7A  }
0x26: {  	[smem:$0x3F9F] =	sst s1;
	(tag) =	ssettag s2;
	_ =	strace s9  }
0x27: {  	s1 =	sld [smem:$0x3FAF]  }
0x28: {  	s2 =	sld [smem:$0x3FB0]  }
0x29: {  	s4 =	sld [smem:$0x3FB2]  }
0x2a: {  	p0 =	seq.s32 s5, $0x0;
	s5 =	sld [smem:$0x3FB3]  }
0x2b: {  	s6 =	sld [smem:$0x3FB4]  }
0x2c: {  	s7 =	sld [smem:$0x3FB5]  }
0x2d: {  	s3 =	simm.s32 $0x108;
	s8 =	sld [smem:$0x3FB6]  }
0x2e: {  	s3 =	simm.s32 @!p0 $0x1082;
	s9 =	sld [smem:$0x3FB7]  }
0x2f: {  	lr =	sadd.s32 s0, s3;
	s0 =	sld [smem:$0x3FAE]  }
0x30: {  	s3 =	sld [smem:$0x3FB1]  }
0x31: {  	[smem:$0x3FBA] =	sst s10  }
0x32: {  	s10 =	sld [smem:$0x3FB8];
	_ =	sdelay $0x3  }
0x33: {  	p0 =	seq.s32 s10, $0x1;
	s10 =	sld [smem:$0x3FBA];
	_ =	sdelay $0x3  }
0x34: {  	[smem:$0x3FBA] =	sst s10  }
0x35: {  	s10 =	sld [smem:$0x3FB9];
	_ =	sdelay $0x3  }
0x36: {  	p1 =	seq.s32 s10, $0x1;
	s10 =	sld [smem:$0x3FBA];
	_ =	sdelay $0x3  }
0x37: {  	[smem:$0x3FBA] =	sst s10  }
0x38: {  	s10 =	sld [smem:$0x3FBB]  }
0x39: {  	_ = 	snop;
	(pc) =	sbr.ind lr, $3  }
0x3a: {  	_ = 	snop  }
0x3b: {  	_ = 	snop  }
0x3c: {  	p2 =	seq.s32 s10, $0x1;
	s10 =	sld [smem:$0x3FBA]  }
0x3d: {  	_ =	shalt  }
0x3e: {  	_ =	shalt  }
0x3f: {  	_ =	shalt  }
0x40: {  	_ =	shalt  }
0x41: {  	_ =	shalt  }
0x42: {  	_ =	shalt  }
0x43: {  	_ =	shalt  }
0x44: {  	_ =	shalt  }
0x45: {  	_ =	shalt  }
0x46: {  	_ =	shalt  }
0x47: {  	_ =	shalt  }
0x48: {  	_ =	shalt  }
0x49: {  	_ =	shalt  }
0x4a: {  	_ =	shalt  }
0x4b: {  	_ =	shalt  }
0x4c: {  	_ =	shalt  }
0x4d: {  	_ =	shalt  }
0x4e: {  	_ =	shalt  }
0x4f: {  	_ =	shalt  }
0x50: {  	_ =	shalt  }
0x51: {  	_ =	shalt  }
0x52: {  	_ =	shalt  }
0x53: {  	_ =	shalt  }
0x54: {  	_ =	shalt  }
0x55: {  	_ =	shalt  }
0x56: {  	_ =	shalt  }
0x57: {  	_ =	shalt  }
0x58: {  	_ =	shalt  }
0x59: {  	_ =	shalt  }
0x5a: {  	_ =	shalt  }
0x5b: {  	_ =	shalt  }
0x5c: {  	_ =	shalt  }
0x5d: {  	_ =	shalt  }
0x5e: {  	_ =	shalt  }
0x5f: {  	_ =	shalt  }
0x60: {  	_ =	shalt  }
0x61: {  	_ =	shalt  }
0x62: {  	_ =	shalt  }
0x63: {  	_ =	shalt  }
0x64: {  	_ =	shalt  }
0x65: {  	_ =	shalt  }
0x66: {  	_ =	shalt  }
0x67: {  	_ =	shalt  }
0x68: {  	_ =	shalt  }
0x69: {  	_ =	shalt  }
0x6a: {  	_ =	shalt  }
0x6b: {  	_ =	shalt  }
0x6c: {  	_ =	shalt  }
0x6d: {  	_ =	shalt  }
0x6e: {  	_ =	shalt  }
0x6f: {  	_ =	shalt  }
0x70: {  	_ =	shalt  }
0x71: {  	_ =	shalt  }
0x72: {  	_ =	shalt  }
0x73: {  	_ =	shalt  }
0x74: {  	_ =	shalt  }
0x75: {  	_ =	shalt  }
0x76: {  	_ =	shalt  }
0x77: {  	_ =	shalt  }
0x78: {  	_ =	shalt  }
0x79: {  	_ =	shalt  }
0x7a: {  	_ =	shalt  }
0x7b: {  	_ =	shalt  }
0x7c: {  	_ =	shalt  }
0x7d: {  	_ =	shalt  }
0x7e: {  	_ =	shalt  }
0x7f: {  	_ =	shalt  }
0x80: {  	_ =	shalt  }
0x81: {  	_ =	shalt  }
0x82: {  	_ =	shalt  }
0x83: {  	_ =	shalt  }
0x84: {  	_ =	shalt  }
0x85: {  	_ =	shalt  }
0x86: {  	_ =	shalt  }
0x87: {  	_ =	shalt  }
.Lfunc_end0:
.L_simem_size_0:
called_computation_lowered:
.L_overlay_start_0:
0x88: {  	s0 =	sld [smem:$0x3FD9]  }
0x89: {  	s1 =	sld [smem:$0x3FFE];
	_ =	sdelay $0x3  }
0x8a: {  	s0 =	sadd.s32 s1, s0  }
0x8b: {  	[smem:$0x3FC6] =	sst s0  }
0x8c: {  	_ = 	snop  }
0x8d: {  	s0 =	sld [smem:$0x3FC9]  }
0x8e: {  	s17 =	sld [smem:$0x3FC8]  }
0x8f: {  	s2 =	sld [smem:$0x3FD0];
	(tm) =	ssettm $0x1  }
0x90: {  	s3 =	sld [smem:$0x3FFB];
	_ =	sdelay $0x3  }
0x91: {  	_ =	strace s3  }
0x92: {  	s3 =	sld [smem:$0x3FFC];
	_ =	sdelay $0x3  }
0x93: {  	_ =	strace s3  }
0x94: {  	s3 =	sld [smem:$0x3FFD];
	_ =	sdelay $0x3  }
0x95: {  	_ =	strace s3  }
0x96: {  	_ =	strace $0x8FFFFFFF  }
0x97: {  	s18 =	sld [smem:$0x3FDB];
	_ =	sdelay $0x1  }
0x98: {  	s4 =	simm.s32 $_scs_section_size  }
0x99: {  	s5 =	simm.s32 $_size__tile_overlayer_lowered;
	s6 =	simm.s32 $_tile_overlayer_lowered  }
0x9a: {  	s21 =	simm.s32 $0x1BFF;
	s20 =	sshll.u32 s6, $0x1;
	s3 =	sadd.s32 s4, s18  }
0x9b: {  	s7 =	simm.s32 $0x0;
	s19 =	sshll.u32 s5, $0x1;
	s5 =	sadd.s32 s20, s3  }
0x9c: {  	[timem:s7], [sflag:s21] =	dma.local [hbm:s5], s19  }
0x9d: {  	_ =	swait.ge [sflag:s21], s19  }
0x9e: {  	s4 =	ssub.s32 $0x0, s19;
	[sflag:s21] =	ssyncset.done $0x0  }
0x9f: {  	[sflag:s21] =	ssyncadd.s32 s4;
	_ =	sdelay $0x1  }
0xa0: {  	s22 =	simm.s32 $0x1B8B  }
0xa1: {  	_ =	swait.ge [sflag:s22], $0x1  }
0xa2: {  	[sflag:s22] =	ssyncset.done $0x0  }
0xa3: {  	s23 =	simm.s32 $0x1B8E;
	[sflag:s22] =	ssyncadd.s32 $0xFFFFFFFF  }
0xa4: {  	s24 =	simm.s32 $execute0_lowered;
	[smem:$0x3FD2] =	sst s23  }
0xa5: {  	s4 =	sshll.u32 s24, $0x1;
	_ =	strace $0x80000046;
	[dreg:$0x1] =	wrdreg $0xFFFFFFFF  }
0xa6: {  	s25 =	simm.s32 $_size_execute0_lowered;
	s3 =	sadd.s32 s3, s4;
	[dreg:$0x0] =	wrdreg $0x0  }
0xa7: {  	s4 =	sshll.u32 s25, $0x1;
	[dreg:$0x2] =	wrdreg s3  }
0xa8: {  	[dreg:$0x3] =	wrdreg s4  }
0xa9: {  	[dreg:$0x4] =	wrdreg $0xC0  }
0xaa: {  	_ =	task [dreg:s7], $0x5FFFF  }
0xab: {  	[dreg:$0x1] =	wrdreg $0xFFFFFFFF  }
0xac: {  	[dreg:$0x0] =	wrdreg $0x60  }
0xad: {  	[dreg:$0x2] =	wrdreg s0  }
0xae: {  	[dreg:$0x3] =	wrdreg s17  }
0xaf: {  	[dreg:$0x4] =	wrdreg s2  }
0xb0: {  	[dreg:$0x5] =	wrdreg $0x9  }
0xb1: {  	_ =	task.clear_ibuf [dreg:s7], $0x6FFFF;
	_ =	strace $0x90000046  }
0xb2: {  	s26 =	simm.s32 $0x9;
	_ =	strace $0x80000048  }
0xb3: {  	_ =	swait.ge [sflag:s26], $0x1  }
0xb4: {  	[sflag:s26] =	ssyncadd.s32 $0xFFFFFFFF  }
0xb5: {  	_ =	strace $0x90000048  }
0xb6: {  	_ =	sfence  }
0xb7: {  	s28 =	sld [smem:$0x0];
	_ =	sdelay $0x1  }
0xb8: {  	s29 =	srdreg.scid  }
0xb9: {  	s30 =	sshll.u32 s29, $0xD;
	s31 =	sshrl.u32 s29, $0x2  }
0xba: {  	s1 =	sand.u32 $0x1, s29;
	s2 =	sand.u32 $0x4000, s30;
	s0 =	sadd.s32 s31, s28  }
0xbb: {  	s1 =	sor.u32 s2, s1;
	s0 =	sshll.u32 s0, $0x11  }
0xbc: {  	s0 =	sor.u32 s0, s1  }
0xbd: {  	s0 =	sadd.s32 $0x8F2B, s0  }
0xbe: {  	[sflag:s0] =	ssyncadd.remote.s32 $0x1  }
0xbf: {  	_ =	sfence.sel $0xFFFF  }
0xc0: {  	[dreg:$0x0] =	wrdreg $0xFFFFFFFF;
	(pc) =	sbr.abs _section_cstart, $3  }
0xc1: {  	[dreg:$0x1] =	wrdreg $0xFFFFFFFF  }
0xc2: {  	_ =	task.clear_ibuf [dreg:s7], $0x2FFFF;
	_ =	strace $0x9FFFFFFF  }
0xc3: {  	(tm) =	ssettm $0x7FFFFFFF  }
tec
execute0_lowered:
.L_overlay_start_1:
0x0: {  	(tag) =	ssettag $0x1  }
0x1: {  	v0 =	vimm.f32 $1.500000000e+01  }
0x2: {  	vm11 =	vcmask $0x300;
	vm12 =	vcmask $0x704;
	vm13 =	vcmask $0xB08  }
0x3: {  	vm14 =	vcmask $0xF0C;
	vm10 =	vcmask $0x1310;
	vm9 =	vcmask $0x1714  }
0x4: {  	vm8 =	vcmask $0x1B18;
	vm7 =	vcmask $0x1F1C;
	vm6 =	vcmask $0x2320  }
0x5: {  	vm5 =	vcmask $0x2724;
	v2 =	vimm.f32 $3.100000000e+01;
	vm4 =	vcmask $0x2B28  }
0x6: {  	vm3 =	vcmask $0x2F2C;
	vm2 =	vcmask $0x3330;
	vm1 =	vcmask $0x3734  }
0x7: {  	vm0 =	vcmask $0x3B38;
	v3 =	vimm.f32 $4.700000000e+01;
	v4 =	vimm.f32 $6.300000000e+01  }
0x8: {  	v5 =	vimm.f32 $7.900000000e+01;
	v6 =	vimm.f32 $9.500000000e+01;
	v7 =	vimm.f32 $1.110000000e+02  }
0x9: {  	v8 =	vimm.f32 $1.270000000e+02;
	v9 =	vimm.f32 $1.430000000e+02;
	v10 =	vimm.f32 $1.590000000e+02  }
0xa: {  	v11 =	vimm.f32 $1.750000000e+02;
	v12 =	vimm.f32 $1.910000000e+02;
	v13 =	vimm.f32 $2.070000000e+02  }
0xb: {  	v14 =	vimm.f32 $2.230000000e+02;
	v15 =	vimm.f32 $2.390000000e+02;
	v16 =	vimm.f32 $2.550000000e+02  }
0xc: {  	v17 =	vimm.f32 $2.710000000e+02;
	v18 =	vimm.f32 $2.870000000e+02;
	v19 =	vimm.f32 $3.030000000e+02  }
0xd: {  	v20 =	vimm.f32 $3.190000000e+02;
	v21 =	vimm.f32 $3.350000000e+02;
	v22 =	vimm.f32 $3.510000000e+02  }
0xe: {  	v23 =	vimm.f32 $3.670000000e+02;
	v24 =	vimm.f32 $3.830000000e+02;
	v25 =	vimm.f32 $3.990000000e+02  }
0xf: {  	v26 =	vimm.f32 $4.150000000e+02;
	v27 =	vimm.f32 $4.310000000e+02;
	v28 =	vimm.f32 $4.470000000e+02  }
0x10: {  	v30 =	vimm.f32 $4.630000000e+02;
	v32 =	vimm.f32 $4.950000000e+02;
	v33 =	vimm.f32 $5.110000000e+02  }
0x11: {  	v0 =	vsel vm11, $0x0, v0;
	v2 =	vsel vm11, $0x41800000, v2;
	v3 =	vsel vm11, $0x42000000, v3  }
0x12: {  	v4 =	vsel vm11, $0x42400000, v4;
	v5 =	vsel vm11, $0x42800000, v5;
	v6 =	vsel vm11, $0x42A00000, v6  }
0x13: {  	v7 =	vsel vm11, $0x42C00000, v7;
	v8 =	vsel vm11, $0x42E00000, v8;
	v9 =	vsel vm11, $0x43000000, v9  }
0x14: {  	v10 =	vsel vm11, $0x43100000, v10;
	v11 =	vsel vm11, $0x43200000, v11;
	v12 =	vsel vm11, $0x43300000, v12  }
0x15: {  	v13 =	vsel vm11, $0x43400000, v13;
	v14 =	vsel vm11, $0x43500000, v14;
	v15 =	vsel vm11, $0x43600000, v15  }
0x16: {  	v16 =	vsel vm11, $0x43700000, v16;
	v17 =	vsel vm11, $0x43800000, v17;
	v18 =	vsel vm11, $0x43880000, v18  }
0x17: {  	v19 =	vsel vm11, $0x43900000, v19;
	v20 =	vsel vm11, $0x43980000, v20;
	v21 =	vsel vm11, $0x43A00000, v21  }
0x18: {  	v22 =	vsel vm11, $0x43A80000, v22;
	v23 =	vsel vm11, $0x43B00000, v23;
	v24 =	vsel vm11, $0x43B80000, v24  }
0x19: {  	v25 =	vsel vm11, $0x43C00000, v25;
	v26 =	vsel vm11, $0x43C80000, v26;
	v27 =	vsel vm11, $0x43D00000, v27  }
0x1a: {  	v28 =	vsel vm11, $0x43D80000, v28;
	v30 =	vsel vm11, $0x43E00000, v30;
	v32 =	vsel vm11, $0x43F00000, v32  }
0x1b: {  	v33 =	vsel vm11, $0x43F80000, v33;
	v1 =	vsel vm12, $0x3F800000, v0;
	v2 =	vsel vm12, $0x41880000, v2  }
0x1c: {  	v3 =	vsel vm12, $0x42040000, v3;
	v4 =	vsel vm12, $0x42440000, v4;
	v5 =	vsel vm12, $0x42820000, v5  }
0x1d: {  	v6 =	vsel vm12, $0x42A20000, v6;
	v7 =	vsel vm12, $0x42C20000, v7;
	v8 =	vsel vm12, $0x42E20000, v8  }
0x1e: {  	v9 =	vsel vm12, $0x43010000, v9;
	v10 =	vsel vm12, $0x43110000, v10;
	v11 =	vsel vm12, $0x43210000, v11  }
0x1f: {  	v12 =	vsel vm12, $0x43310000, v12;
	v13 =	vsel vm12, $0x43410000, v13;
	v14 =	vsel vm12, $0x43510000, v14  }
0x20: {  	v15 =	vsel vm12, $0x43610000, v15;
	v16 =	vsel vm12, $0x43710000, v16;
	v17 =	vsel vm12, $0x43808000, v17  }
0x21: {  	v18 =	vsel vm12, $0x43888000, v18;
	v19 =	vsel vm12, $0x43908000, v19;
	v20 =	vsel vm12, $0x43988000, v20  }
0x22: {  	v21 =	vsel vm12, $0x43A08000, v21;
	v22 =	vsel vm12, $0x43A88000, v22;
	v23 =	vsel vm12, $0x43B08000, v23  }
0x23: {  	v24 =	vsel vm12, $0x43B88000, v24;
	v25 =	vsel vm12, $0x43C08000, v25;
	v26 =	vsel vm12, $0x43C88000, v26  }
0x24: {  	v27 =	vsel vm12, $0x43D08000, v27;
	v28 =	vsel vm12, $0x43D88000, v28;
	v30 =	vsel vm12, $0x43E08000, v30  }
0x25: {  	v32 =	vsel vm12, $0x43F08000, v32;
	v33 =	vsel vm12, $0x43F88000, v33;
	v1 =	vsel vm13, $0x40000000, v1  }
0x26: {  	v2 =	vsel vm13, $0x41900000, v2;
	v3 =	vsel vm13, $0x42080000, v3;
	v4 =	vsel vm13, $0x42480000, v4  }
0x27: {  	v5 =	vsel vm13, $0x42840000, v5;
	v6 =	vsel vm13, $0x42A40000, v6;
	v7 =	vsel vm13, $0x42C40000, v7  }
0x28: {  	v8 =	vsel vm13, $0x42E40000, v8;
	v9 =	vsel vm13, $0x43020000, v9;
	v10 =	vsel vm13, $0x43120000, v10  }
0x29: {  	v11 =	vsel vm13, $0x43220000, v11;
	v12 =	vsel vm13, $0x43320000, v12;
	v13 =	vsel vm13, $0x43420000, v13  }
0x2a: {  	v14 =	vsel vm13, $0x43520000, v14;
	v15 =	vsel vm13, $0x43620000, v15;
	v16 =	vsel vm13, $0x43720000, v16  }
0x2b: {  	v17 =	vsel vm13, $0x43810000, v17;
	v18 =	vsel vm13, $0x43890000, v18;
	v19 =	vsel vm13, $0x43910000, v19  }
0x2c: {  	v20 =	vsel vm13, $0x43990000, v20;
	v21 =	vsel vm13, $0x43A10000, v21;
	v22 =	vsel vm13, $0x43A90000, v22  }
0x2d: {  	v23 =	vsel vm13, $0x43B10000, v23;
	v24 =	vsel vm13, $0x43B90000, v24;
	v25 =	vsel vm13, $0x43C10000, v25  }
0x2e: {  	v26 =	vsel vm13, $0x43C90000, v26;
	v27 =	vsel vm13, $0x43D10000, v27;
	v28 =	vsel vm13, $0x43D90000, v28  }
0x2f: {  	v30 =	vsel vm13, $0x43E10000, v30;
	v32 =	vsel vm13, $0x43F10000, v32;
	v33 =	vsel vm13, $0x43F90000, v33  }
0x30: {  	v1 =	vsel vm14, $0x40400000, v1;
	v2 =	vsel vm14, $0x41980000, v2;
	v3 =	vsel vm14, $0x420C0000, v3  }
0x31: {  	v4 =	vsel vm14, $0x424C0000, v4;
	v5 =	vsel vm14, $0x42860000, v5;
	v6 =	vsel vm14, $0x42A60000, v6  }
0x32: {  	v7 =	vsel vm14, $0x42C60000, v7;
	v8 =	vsel vm14, $0x42E60000, v8;
	v9 =	vsel vm14, $0x43030000, v9  }
0x33: {  	v10 =	vsel vm14, $0x43130000, v10;
	v11 =	vsel vm14, $0x43230000, v11;
	v12 =	vsel vm14, $0x43330000, v12  }
0x34: {  	v13 =	vsel vm14, $0x43430000, v13;
	v14 =	vsel vm14, $0x43530000, v14;
	v15 =	vsel vm14, $0x43630000, v15  }
0x35: {  	v16 =	vsel vm14, $0x43730000, v16;
	v17 =	vsel vm14, $0x43818000, v17;
	v18 =	vsel vm14, $0x43898000, v18  }
0x36: {  	v19 =	vsel vm14, $0x43918000, v19;
	v20 =	vsel vm14, $0x43998000, v20;
	v21 =	vsel vm14, $0x43A18000, v21  }
0x37: {  	v22 =	vsel vm14, $0x43A98000, v22;
	v23 =	vsel vm14, $0x43B18000, v23;
	v24 =	vsel vm14, $0x43B98000, v24  }
0x38: {  	v25 =	vsel vm14, $0x43C18000, v25;
	v26 =	vsel vm14, $0x43C98000, v26;
	v27 =	vsel vm14, $0x43D18000, v27  }
0x39: {  	v28 =	vsel vm14, $0x43D98000, v28;
	v30 =	vsel vm14, $0x43E18000, v30;
	v32 =	vsel vm14, $0x43F18000, v32  }
0x3a: {  	v33 =	vsel vm14, $0x43F98000, v33;
	v1 =	vsel vm10, $0x40800000, v1;
	v2 =	vsel vm10, $0x41A00000, v2  }
0x3b: {  	v3 =	vsel vm10, $0x42100000, v3;
	v4 =	vsel vm10, $0x42500000, v4;
	v5 =	vsel vm10, $0x42880000, v5  }
0x3c: {  	v6 =	vsel vm10, $0x42A80000, v6;
	v7 =	vsel vm10, $0x42C80000, v7;
	v8 =	vsel vm10, $0x42E80000, v8  }
0x3d: {  	v9 =	vsel vm10, $0x43040000, v9;
	v10 =	vsel vm10, $0x43140000, v10;
	v11 =	vsel vm10, $0x43240000, v11  }
0x3e: {  	v12 =	vsel vm10, $0x43340000, v12;
	v13 =	vsel vm10, $0x43440000, v13;
	v14 =	vsel vm10, $0x43540000, v14  }
0x3f: {  	v15 =	vsel vm10, $0x43640000, v15;
	v16 =	vsel vm10, $0x43740000, v16;
	v17 =	vsel vm10, $0x43820000, v17  }
0x40: {  	v18 =	vsel vm10, $0x438A0000, v18;
	v19 =	vsel vm10, $0x43920000, v19;
	v20 =	vsel vm10, $0x439A0000, v20  }
0x41: {  	v21 =	vsel vm10, $0x43A20000, v21;
	v22 =	vsel vm10, $0x43AA0000, v22;
	v23 =	vsel vm10, $0x43B20000, v23  }
0x42: {  	v24 =	vsel vm10, $0x43BA0000, v24;
	v25 =	vsel vm10, $0x43C20000, v25;
	v26 =	vsel vm10, $0x43CA0000, v26  }
0x43: {  	v27 =	vsel vm10, $0x43D20000, v27;
	v28 =	vsel vm10, $0x43DA0000, v28;
	v30 =	vsel vm10, $0x43E20000, v30  }
0x44: {  	v32 =	vsel vm10, $0x43F20000, v32;
	v33 =	vsel vm10, $0x43FA0000, v33;
	v1 =	vsel vm9, $0x40A00000, v1  }
0x45: {  	v2 =	vsel vm9, $0x41A80000, v2;
	v3 =	vsel vm9, $0x42140000, v3;
	v4 =	vsel vm9, $0x42540000, v4  }
0x46: {  	v5 =	vsel vm9, $0x428A0000, v5;
	v6 =	vsel vm9, $0x42AA0000, v6;
	v7 =	vsel vm9, $0x42CA0000, v7  }
0x47: {  	v8 =	vsel vm9, $0x42EA0000, v8;
	v9 =	vsel vm9, $0x43050000, v9;
	v10 =	vsel vm9, $0x43150000, v10  }
0x48: {  	v11 =	vsel vm9, $0x43250000, v11;
	v12 =	vsel vm9, $0x43350000, v12;
	v13 =	vsel vm9, $0x43450000, v13  }
0x49: {  	v14 =	vsel vm9, $0x43550000, v14;
	v15 =	vsel vm9, $0x43650000, v15;
	v16 =	vsel vm9, $0x43750000, v16  }
0x4a: {  	v17 =	vsel vm9, $0x43828000, v17;
	v18 =	vsel vm9, $0x438A8000, v18;
	v19 =	vsel vm9, $0x43928000, v19  }
0x4b: {  	v20 =	vsel vm9, $0x439A8000, v20;
	v21 =	vsel vm9, $0x43A28000, v21;
	v22 =	vsel vm9, $0x43AA8000, v22  }
0x4c: {  	v23 =	vsel vm9, $0x43B28000, v23;
	v24 =	vsel vm9, $0x43BA8000, v24;
	v25 =	vsel vm9, $0x43C28000, v25  }
0x4d: {  	v26 =	vsel vm9, $0x43CA8000, v26;
	v27 =	vsel vm9, $0x43D28000, v27;
	v28 =	vsel vm9, $0x43DA8000, v28  }
0x4e: {  	v30 =	vsel vm9, $0x43E28000, v30;
	v32 =	vsel vm9, $0x43F28000, v32;
	v33 =	vsel vm9, $0x43FA8000, v33  }
0x4f: {  	v1 =	vsel vm8, $0x40C00000, v1;
	v2 =	vsel vm8, $0x41B00000, v2;
	v3 =	vsel vm8, $0x42180000, v3  }
0x50: {  	v4 =	vsel vm8, $0x42580000, v4;
	v5 =	vsel vm8, $0x428C0000, v5;
	v6 =	vsel vm8, $0x42AC0000, v6  }
0x51: {  	v7 =	vsel vm8, $0x42CC0000, v7;
	v8 =	vsel vm8, $0x42EC0000, v8;
	v9 =	vsel vm8, $0x43060000, v9  }
0x52: {  	v10 =	vsel vm8, $0x43160000, v10;
	v11 =	vsel vm8, $0x43260000, v11;
	v12 =	vsel vm8, $0x43360000, v12  }
0x53: {  	v13 =	vsel vm8, $0x43460000, v13;
	v14 =	vsel vm8, $0x43560000, v14;
	v15 =	vsel vm8, $0x43660000, v15  }
0x54: {  	v16 =	vsel vm8, $0x43760000, v16;
	v17 =	vsel vm8, $0x43830000, v17;
	v18 =	vsel vm8, $0x438B0000, v18  }
0x55: {  	v19 =	vsel vm8, $0x43930000, v19;
	v20 =	vsel vm8, $0x439B0000, v20;
	v21 =	vsel vm8, $0x43A30000, v21  }
0x56: {  	v22 =	vsel vm8, $0x43AB0000, v22;
	v23 =	vsel vm8, $0x43B30000, v23;
	v24 =	vsel vm8, $0x43BB0000, v24  }
0x57: {  	v25 =	vsel vm8, $0x43C30000, v25;
	v26 =	vsel vm8, $0x43CB0000, v26;
	v27 =	vsel vm8, $0x43D30000, v27  }
0x58: {  	v28 =	vsel vm8, $0x43DB0000, v28;
	v30 =	vsel vm8, $0x43E30000, v30;
	v32 =	vsel vm8, $0x43F30000, v32  }
0x59: {  	v33 =	vsel vm8, $0x43FB0000, v33;
	v1 =	vsel vm7, $0x40E00000, v1;
	v2 =	vsel vm7, $0x41B80000, v2  }
0x5a: {  	v3 =	vsel vm7, $0x421C0000, v3;
	v4 =	vsel vm7, $0x425C0000, v4;
	v5 =	vsel vm7, $0x428E0000, v5  }
0x5b: {  	v6 =	vsel vm7, $0x42AE0000, v6;
	v7 =	vsel vm7, $0x42CE0000, v7;
	v8 =	vsel vm7, $0x42EE0000, v8  }
0x5c: {  	v9 =	vsel vm7, $0x43070000, v9;
	v10 =	vsel vm7, $0x43170000, v10;
	v11 =	vsel vm7, $0x43270000, v11  }
0x5d: {  	v12 =	vsel vm7, $0x43370000, v12;
	v13 =	vsel vm7, $0x43470000, v13;
	v14 =	vsel vm7, $0x43570000, v14  }
0x5e: {  	v15 =	vsel vm7, $0x43670000, v15;
	v16 =	vsel vm7, $0x43770000, v16;
	v17 =	vsel vm7, $0x43838000, v17  }
0x5f: {  	v18 =	vsel vm7, $0x438B8000, v18;
	v19 =	vsel vm7, $0x43938000, v19;
	v20 =	vsel vm7, $0x439B8000, v20  }
0x60: {  	v21 =	vsel vm7, $0x43A38000, v21;
	v22 =	vsel vm7, $0x43AB8000, v22;
	v23 =	vsel vm7, $0x43B38000, v23  }
0x61: {  	v24 =	vsel vm7, $0x43BB8000, v24;
	v25 =	vsel vm7, $0x43C38000, v25;
	v26 =	vsel vm7, $0x43CB8000, v26  }
0x62: {  	v27 =	vsel vm7, $0x43D38000, v27;
	v28 =	vsel vm7, $0x43DB8000, v28;
	v30 =	vsel vm7, $0x43E38000, v30  }
0x63: {  	v32 =	vsel vm7, $0x43F38000, v32;
	v33 =	vsel vm7, $0x43FB8000, v33;
	v1 =	vsel vm6, $0x41000000, v1  }
0x64: {  	v2 =	vsel vm6, $0x41C00000, v2;
	v3 =	vsel vm6, $0x42200000, v3;
	v4 =	vsel vm6, $0x42600000, v4  }
0x65: {  	v5 =	vsel vm6, $0x42900000, v5;
	v6 =	vsel vm6, $0x42B00000, v6;
	v7 =	vsel vm6, $0x42D00000, v7  }
0x66: {  	v8 =	vsel vm6, $0x42F00000, v8;
	v9 =	vsel vm6, $0x43080000, v9;
	v10 =	vsel vm6, $0x43180000, v10  }
0x67: {  	v11 =	vsel vm6, $0x43280000, v11;
	v12 =	vsel vm6, $0x43380000, v12;
	v13 =	vsel vm6, $0x43480000, v13  }
0x68: {  	v14 =	vsel vm6, $0x43580000, v14;
	v15 =	vsel vm6, $0x43680000, v15;
	v16 =	vsel vm6, $0x43780000, v16  }
0x69: {  	v17 =	vsel vm6, $0x43840000, v17;
	v18 =	vsel vm6, $0x438C0000, v18;
	v19 =	vsel vm6, $0x43940000, v19  }
0x6a: {  	v20 =	vsel vm6, $0x439C0000, v20;
	v21 =	vsel vm6, $0x43A40000, v21;
	v22 =	vsel vm6, $0x43AC0000, v22  }
0x6b: {  	v23 =	vsel vm6, $0x43B40000, v23;
	v24 =	vsel vm6, $0x43BC0000, v24;
	v25 =	vsel vm6, $0x43C40000, v25  }
0x6c: {  	v26 =	vsel vm6, $0x43CC0000, v26;
	v27 =	vsel vm6, $0x43D40000, v27;
	v28 =	vsel vm6, $0x43DC0000, v28  }
0x6d: {  	v30 =	vsel vm6, $0x43E40000, v30;
	v32 =	vsel vm6, $0x43F40000, v32;
	v33 =	vsel vm6, $0x43FC0000, v33  }
0x6e: {  	v1 =	vsel vm5, $0x41100000, v1;
	v2 =	vsel vm5, $0x41C80000, v2;
	v3 =	vsel vm5, $0x42240000, v3  }
0x6f: {  	v4 =	vsel vm5, $0x42640000, v4;
	v5 =	vsel vm5, $0x42920000, v5;
	v6 =	vsel vm5, $0x42B20000, v6  }
0x70: {  	v7 =	vsel vm5, $0x42D20000, v7;
	v8 =	vsel vm5, $0x42F20000, v8;
	v9 =	vsel vm5, $0x43090000, v9  }
0x71: {  	v10 =	vsel vm5, $0x43190000, v10;
	v11 =	vsel vm5, $0x43290000, v11;
	v12 =	vsel vm5, $0x43390000, v12  }
0x72: {  	v13 =	vsel vm5, $0x43490000, v13;
	v14 =	vsel vm5, $0x43590000, v14;
	v15 =	vsel vm5, $0x43690000, v15  }
0x73: {  	v16 =	vsel vm5, $0x43790000, v16;
	v17 =	vsel vm5, $0x43848000, v17;
	v18 =	vsel vm5, $0x438C8000, v18  }
0x74: {  	v19 =	vsel vm5, $0x43948000, v19;
	v20 =	vsel vm5, $0x439C8000, v20;
	v21 =	vsel vm5, $0x43A48000, v21  }
0x75: {  	v22 =	vsel vm5, $0x43AC8000, v22;
	v23 =	vsel vm5, $0x43B48000, v23;
	v24 =	vsel vm5, $0x43BC8000, v24  }
0x76: {  	v25 =	vsel vm5, $0x43C48000, v25;
	v26 =	vsel vm5, $0x43CC8000, v26;
	v27 =	vsel vm5, $0x43D48000, v27  }
0x77: {  	v28 =	vsel vm5, $0x43DC8000, v28;
	v30 =	vsel vm5, $0x43E48000, v30;
	v32 =	vsel vm5, $0x43F48000, v32  }
0x78: {  	v33 =	vsel vm5, $0x43FC8000, v33;
	v1 =	vsel vm4, $0x41200000, v1;
	v2 =	vsel vm4, $0x41D00000, v2  }
0x79: {  	v3 =	vsel vm4, $0x42280000, v3;
	v4 =	vsel vm4, $0x42680000, v4;
	v5 =	vsel vm4, $0x42940000, v5  }
0x7a: {  	v6 =	vsel vm4, $0x42B40000, v6;
	v7 =	vsel vm4, $0x42D40000, v7;
	v8 =	vsel vm4, $0x42F40000, v8  }
0x7b: {  	v9 =	vsel vm4, $0x430A0000, v9;
	v10 =	vsel vm4, $0x431A0000, v10;
	v11 =	vsel vm4, $0x432A0000, v11  }
0x7c: {  	v12 =	vsel vm4, $0x433A0000, v12;
	v13 =	vsel vm4, $0x434A0000, v13;
	v14 =	vsel vm4, $0x435A0000, v14  }
0x7d: {  	v15 =	vsel vm4, $0x436A0000, v15;
	v16 =	vsel vm4, $0x437A0000, v16;
	v17 =	vsel vm4, $0x43850000, v17  }
0x7e: {  	v18 =	vsel vm4, $0x438D0000, v18;
	v19 =	vsel vm4, $0x43950000, v19;
	v20 =	vsel vm4, $0x439D0000, v20  }
0x7f: {  	v21 =	vsel vm4, $0x43A50000, v21;
	v22 =	vsel vm4, $0x43AD0000, v22;
	v23 =	vsel vm4, $0x43B50000, v23  }
0x80: {  	v24 =	vsel vm4, $0x43BD0000, v24;
	v25 =	vsel vm4, $0x43C50000, v25;
	v26 =	vsel vm4, $0x43CD0000, v26  }
0x81: {  	v27 =	vsel vm4, $0x43D50000, v27;
	v28 =	vsel vm4, $0x43DD0000, v28;
	v30 =	vsel vm4, $0x43E50000, v30  }
0x82: {  	v32 =	vsel vm4, $0x43F50000, v32;
	v33 =	vsel vm4, $0x43FD0000, v33;
	v1 =	vsel vm3, $0x41300000, v1  }
0x83: {  	v2 =	vsel vm3, $0x41D80000, v2;
	v3 =	vsel vm3, $0x422C0000, v3;
	v4 =	vsel vm3, $0x426C0000, v4  }
0x84: {  	v5 =	vsel vm3, $0x42960000, v5;
	v6 =	vsel vm3, $0x42B60000, v6;
	v7 =	vsel vm3, $0x42D60000, v7  }
0x85: {  	v8 =	vsel vm3, $0x42F60000, v8;
	v9 =	vsel vm3, $0x430B0000, v9;
	v10 =	vsel vm3, $0x431B0000, v10  }
0x86: {  	v11 =	vsel vm3, $0x432B0000, v11;
	v12 =	vsel vm3, $0x433B0000, v12;
	v13 =	vsel vm3, $0x434B0000, v13  }
0x87: {  	v14 =	vsel vm3, $0x435B0000, v14;
	v15 =	vsel vm3, $0x436B0000, v15;
	v16 =	vsel vm3, $0x437B0000, v16  }
0x88: {  	v17 =	vsel vm3, $0x43858000, v17;
	v18 =	vsel vm3, $0x438D8000, v18;
	v19 =	vsel vm3, $0x43958000, v19  }
0x89: {  	v20 =	vsel vm3, $0x439D8000, v20;
	v21 =	vsel vm3, $0x43A58000, v21;
	v22 =	vsel vm3, $0x43AD8000, v22  }
0x8a: {  	v23 =	vsel vm3, $0x43B58000, v23;
	v24 =	vsel vm3, $0x43BD8000, v24;
	v25 =	vsel vm3, $0x43C58000, v25  }
0x8b: {  	v26 =	vsel vm3, $0x43CD8000, v26;
	v27 =	vsel vm3, $0x43D58000, v27;
	v28 =	vsel vm3, $0x43DD8000, v28  }
0x8c: {  	v30 =	vsel vm3, $0x43E58000, v30;
	v32 =	vsel vm3, $0x43F58000, v32;
	v33 =	vsel vm3, $0x43FD8000, v33  }
0x8d: {  	v1 =	vsel vm2, $0x41400000, v1;
	v2 =	vsel vm2, $0x41E00000, v2;
	v3 =	vsel vm2, $0x42300000, v3  }
0x8e: {  	v4 =	vsel vm2, $0x42700000, v4;
	v5 =	vsel vm2, $0x42980000, v5;
	v6 =	vsel vm2, $0x42B80000, v6  }
0x8f: {  	v7 =	vsel vm2, $0x42D80000, v7;
	v8 =	vsel vm2, $0x42F80000, v8;
	v9 =	vsel vm2, $0x430C0000, v9  }
0x90: {  	v10 =	vsel vm2, $0x431C0000, v10;
	v11 =	vsel vm2, $0x432C0000, v11;
	v12 =	vsel vm2, $0x433C0000, v12  }
0x91: {  	v13 =	vsel vm2, $0x434C0000, v13;
	v14 =	vsel vm2, $0x435C0000, v14;
	v15 =	vsel vm2, $0x436C0000, v15  }
0x92: {  	v16 =	vsel vm2, $0x437C0000, v16;
	v17 =	vsel vm2, $0x43860000, v17;
	v18 =	vsel vm2, $0x438E0000, v18  }
0x93: {  	s3 =	rddreg [dreg:$0x0];
	v19 =	vsel vm2, $0x43960000, v19;
	v20 =	vsel vm2, $0x439E0000, v20;
	v21 =	vsel vm2, $0x43A60000, v21  }
0x94: {  	s4 =	rddreg [dreg:$0x1];
	v22 =	vsel vm2, $0x43AE0000, v22;
	v23 =	vsel vm2, $0x43B60000, v23;
	v24 =	vsel vm2, $0x43BE0000, v24  }
0x95: {  	s2 =	rddreg [dreg:$0x2];
	v25 =	vsel vm2, $0x43C60000, v25;
	v26 =	vsel vm2, $0x43CE0000, v26;
	v27 =	vsel vm2, $0x43D60000, v27  }
0x96: {  	s0 =	rddreg [dreg:$0x3];
	s5 =	simm.s32 $0x0;
	s1 =	stileid.u32;
	v28 =	vsel vm2, $0x43DE0000, v28;
	v30 =	vsel vm2, $0x43E60000, v30;
	v32 =	vsel vm2, $0x43F60000, v32  }
0x97: {  	[smem:$0x7FF] =	sst s5;
	s6 =	sshll.u32 s1, $0xB;
	v33 =	vsel vm2, $0x43FE0000, v33;
	v1 =	vsel vm1, $0x41500000, v1;
	v2 =	vsel vm1, $0x41E80000, v2  }
0x98: {  	s26 =	simm.s32 $0x80;
	_ =	strace $0x80000047;
	s4 =	sadd.s32 s4, s6;
	v3 =	vsel vm1, $0x42340000, v3;
	v4 =	vsel vm1, $0x42740000, v4;
	v5 =	vsel vm1, $0x429A0000, v5  }
0x99: {  	[tilespmem:s26], [sflag:$0x1] =	stream.linear.gather [hbm4b:s4+s5], $0x2000, $0x38;
	v6 =	vsel vm1, $0x42BA0000, v6;
	v7 =	vsel vm1, $0x42DA0000, v7;
	v8 =	vsel vm1, $0x42FA0000, v8;
	[tilespmem:$0x4100] =	vst v63  }
0x9a: {  	s28 =	simm.s32 $0x2080;
	s4 =	sadd.s32 $0x400, s4;
	v9 =	vsel vm1, $0x430D0000, v9;
	v10 =	vsel vm1, $0x431D0000, v10;
	v11 =	vsel vm1, $0x432D0000, v11  }
0x9b: {  	[tilespmem:s28], [sflag:$0x2] =	stream.linear.gather [hbm4b:s4+s5], $0x2000, $0x38;
	v12 =	vsel vm1, $0x433D0000, v12;
	v13 =	vsel vm1, $0x434D0000, v13;
	v14 =	vsel vm1, $0x435D0000, v14;
	[tilespmem:$0x4100] =	vst v63  }
0x9c: {  	s29 =	simm.s32 $0x3;
	v15 =	vsel vm1, $0x436D0000, v15;
	v16 =	vsel vm1, $0x437D0000, v16;
	v17 =	vsel vm1, $0x43868000, v17  }
0x9d: {  	[tilespmem:s5], [sflag:$0x3] =	stream.linear.gather [hbm4b:s3+s5], $0x2, $0x38;
	v18 =	vsel vm1, $0x438E8000, v18;
	v19 =	vsel vm1, $0x43968000, v19;
	v20 =	vsel vm1, $0x439E8000, v20;
	[tilespmem:$0x4100] =	vst v63  }
0x9e: {  	_ =	swait.ge [sflag:s29], $0x2;
	v21 =	vsel vm1, $0x43A68000, v21;
	v22 =	vsel vm1, $0x43AE8000, v22;
	v23 =	vsel vm1, $0x43B68000, v23  }
0x9f: {  	[sflag:s29] =	ssyncset.done $0x0;
	v24 =	vsel vm1, $0x43BE8000, v24;
	v25 =	vsel vm1, $0x43C68000, v25;
	v26 =	vsel vm1, $0x43CE8000, v26  }
0xa0: {  	[sflag:s29] =	ssyncadd.s32 $0xFFFFFFFE;
	v27 =	vsel vm1, $0x43D68000, v27;
	v28 =	vsel vm1, $0x43DE8000, v28;
	v30 =	vsel vm1, $0x43E68000, v30  }
0xa1: {  	v0 =	vld [tilespmem:$0x0];
	v32 =	vsel vm1, $0x43F68000, v32;
	v33 =	vsel vm1, $0x43FE8000, v33;
	v1 =	vsel vm0, $0x41600000, v1  }
0xa2: {  	v2 =	vsel vm0, $0x41F00000, v2;
	v3 =	vsel vm0, $0x42380000, v3;
	v4 =	vsel vm0, $0x42780000, v4  }
0xa3: {  	s3 =	sshll.u32 s1, $0x5;
	v5 =	vsel vm0, $0x429C0000, v5;
	v6 =	vsel vm0, $0x42BC0000, v6;
	v7 =	vsel vm0, $0x42DC0000, v7  }
0xa4: {  	s31 =	sadd.s32 $0x0, s3;
	v8 =	vsel vm0, $0x42FC0000, v8;
	v9 =	vsel vm0, $0x430E0000, v9;
	v10 =	vsel vm0, $0x431E0000, v10  }
0xa5: {  	s5 =	scvt.s32.f32 s31;
	v11 =	vsel vm0, $0x432E0000, v11;
	v12 =	vsel vm0, $0x433E0000, v12;
	v13 =	vsel vm0, $0x434E0000, v13  }
0xa6: {  	v14 =	vsel vm0, $0x435E0000, v14;
	v15 =	vsel vm0, $0x436E0000, v15;
	v29 =	vbroadcast v0, $0x1  }
0xa7: {  	v16 =	vsel vm0, $0x437E0000, v16;
	v17 =	vsel vm0, $0x43870000, v17;
	v41 =	vsub.f32 s5, v0  }
0xa8: {  	v18 =	vsel vm0, $0x438F0000, v18;
	v1 =	vsub.f32 v1, v29;
	v2 =	vsub.f32 v2, v29  }
0xa9: {  	v19 =	vsel vm0, $0x43970000, v19;
	v3 =	vsub.f32 v3, v29;
	v4 =	vsub.f32 v4, v29  }
0xaa: {  	v20 =	vsel vm0, $0x439F0000, v20;
	v5 =	vsub.f32 v5, v29;
	v6 =	vsub.f32 v6, v29  }
0xab: {  	v21 =	vsel vm0, $0x43A70000, v21;
	v7 =	vsub.f32 v7, v29;
	v8 =	vsub.f32 v8, v29  }
0xac: {  	v22 =	vsel vm0, $0x43AF0000, v22;
	v9 =	vsub.f32 v9, v29;
	v10 =	vsub.f32 v10, v29  }
0xad: {  	v23 =	vsel vm0, $0x43B70000, v23;
	v11 =	vsub.f32 v11, v29;
	v12 =	vsub.f32 v12, v29  }
0xae: {  	v24 =	vsel vm0, $0x43BF0000, v24;
	v13 =	vsub.f32 v13, v29;
	v14 =	vsub.f32 v14, v29  }
0xaf: {  	v25 =	vsel vm0, $0x43C70000, v25;
	v15 =	vsub.f32 v15, v29;
	v16 =	vsub.f32 v16, v29  }
0xb0: {  	v26 =	vsel vm0, $0x43CF0000, v26;
	v17 =	vsub.f32 v17, v29;
	v18 =	vsub.f32 v18, v29  }
0xb1: {  	v27 =	vsel vm0, $0x43D70000, v27;
	v19 =	vsub.f32 v19, v29;
	v20 =	vsub.f32 v20, v29  }
0xb2: {  	v28 =	vsel vm0, $0x43DF0000, v28;
	v21 =	vsub.f32 v21, v29;
	v22 =	vsub.f32 v22, v29  }
0xb3: {  	v30 =	vsel vm0, $0x43E70000, v30;
	v23 =	vsub.f32 v23, v29;
	v24 =	vsub.f32 v24, v29  }
0xb4: {  	v32 =	vsel vm0, $0x43F70000, v32;
	v25 =	vsub.f32 v25, v29;
	v26 =	vsub.f32 v26, v29  }
0xb5: {  	v33 =	vsel vm0, $0x43FF0000, v33;
	v27 =	vsub.f32 v27, v29;
	v31 =	vsub.f32 v28, v29  }
0xb6: {  	v30 =	vsub.f32 v30, v29;
	v1 =	vmul.f32 v1, v1;
	v2 =	vmul.f32 v2, v2  }
0xb7: {  	v32 =	vsub.f32 v32, v29;
	v3 =	vmul.f32 v3, v3;
	v4 =	vmul.f32 v4, v4  }
0xb8: {  	s30 =	simm.s32 $0x1;
	v33 =	vsub.f32 v33, v29;
	v5 =	vmul.f32 v5, v5;
	v28 =	vmul.f32 v25, v25  }
0xb9: {  	_ =	swait.ge [sflag:s30], $0x2000;
	v25 =	vmul.f32 v27, v27;
	v27 =	vmul.f32 v31, v31;
	v31 =	vimm.f32 $4.790000000e+02  }
0xba: {  	[sflag:s30] =	ssyncset.done $0x0;
	v6 =	vmul.f32 v6, v6;
	v7 =	vmul.f32 v7, v7;
	v31 =	vsel vm11, $0x43E80000, v31  }
0xbb: {  	s4 =	simm.s32 $0x180;
	[sflag:s30] =	ssyncadd.s32 $0xFFFFE000;
	v8 =	vmul.f32 v8, v8;
	v9 =	vmul.f32 v9, v9;
	v31 =	vsel vm12, $0x43E88000, v31  }
0xbc: {  	v35 =	vld [tilespmem:s4+$0xC0];
	v10 =	vmul.f32 v10, v10;
	v11 =	vmul.f32 v11, v11;
	v31 =	vsel vm13, $0x43E90000, v31  }
0xbd: {  	v37 =	vld [tilespmem:s4+$0xFFFFFF90];
	v12 =	vmul.f32 v12, v12;
	v13 =	vmul.f32 v13, v13;
	v31 =	vsel vm14, $0x43E98000, v31  }
0xbe: {  	v38 =	vld [tilespmem:s4+$0xFFFFFF20];
	v14 =	vmul.f32 v14, v14;
	v15 =	vmul.f32 v15, v15;
	v31 =	vsel vm10, $0x43EA0000, v31  }
0xbf: {  	v40 =	vld [tilespmem:s4+$0xFFFFFF60];
	v16 =	vmul.f32 v16, v16;
	v17 =	vmul.f32 v17, v17;
	v31 =	vsel vm9, $0x43EA8000, v31  }
0xc0: {  	v43 =	vld [tilespmem:s4+$0xFFFFFF40];
	v18 =	vmul.f32 v18, v18;
	v19 =	vmul.f32 v19, v19;
	v31 =	vsel vm8, $0x43EB0000, v31  }
0xc1: {  	v39 =	vld [tilespmem:s4+$0xFFFFFF70];
	v20 =	vmul.f32 v20, v20;
	v21 =	vmul.f32 v21, v21;
	v31 =	vsel vm7, $0x43EB8000, v31  }
0xc2: {  	v47 =	vld [tilespmem:s4+$0xFFFFFFA0];
	v22 =	vmul.f32 v22, v22;
	v23 =	vmul.f32 v23, v23;
	v31 =	vsel vm6, $0x43EC0000, v31  }
0xc3: {  	v56 =	vld [tilespmem:s4+$0xFFFFFF00];
	v24 =	vmul.f32 v24, v24;
	v26 =	vmul.f32 v26, v26;
	v31 =	vsel vm5, $0x43EC8000, v31  }
0xc4: {  	v36 =	vld [tilespmem:s4+$0x50];
	vm5 =	vgt.f32 v40, $0.0e+00;
	v31 =	vsel vm4, $0x43ED0000, v31;
	vm4 =	vgt.f32 v38, $0.0e+00  }
0xc5: {  	v42 =	vld [tilespmem:s4+$0xFFFFFF50];
	v58 =	vnsel vm5, $0x7F800000, v7;
	vm5 =	vgt.f32 v43, $0.0e+00;
	v31 =	vsel vm3, $0x43ED8000, v31  }
0xc6: {  	v60 =	vld [tilespmem:s4+$0xFFFFFF80];
	vm3 =	vgt.f32 v37, $0.0e+00;
	v44 =	vnsel vm5, $0x7F800000, v5;
	v46 =	vmin.f32 v3, v58  }
0xc7: {  	v55 =	vld [tilespmem:s4+$0xFFFFFF10];
	vm5 =	vgt.f32 v47, $0.0e+00;
	v31 =	vsel vm2, $0x43EE0000, v31;
	vm2 =	vgt.f32 v39, $0.0e+00  }
0xc8: {  	v61 =	vmin.f32 v1, v44;
	v38 =	vsel vm4, v46, v58;
	vm4 =	vgt.f32 v56, $0.0e+00  }
0xc9: {  	v31 =	vsel vm1, $0x43EE8000, v31;
	vm1 =	vgt.f32 v36, $0.0e+00;
	v37 =	vnsel vm2, $0x7F800000, v8  }
0xca: {  	vm2 =	vgt.f32 v42, $0.0e+00;
	v52 =	vmin.f32 v38, v11;
	v54 =	vsel vm4, v61, v44  }
0xcb: {  	v57 =	vld [tilespmem:s4+$0xFFFFFF30];
	vm4 =	vgt.f32 v60, $0.0e+00;
	v31 =	vsel vm0, $0x43EF0000, v31;
	vm0 =	vgt.f32 v35, $0.0e+00  }
0xcc: {  	v59 =	vld [tilespmem:s4+$0xFFFFFFD0];
	v40 =	vmin.f32 v4, v37;
	v42 =	vnsel vm2, $0x7F800000, v6;
	vm2 =	vgt.f32 v55, $0.0e+00  }
0xcd: {  	v56 =	vld [tilespmem:s4+$0xFFFFFFB0];
	v48 =	vmin.f32 v54, v9;
	v34 =	vsub.f32 v31, v29;
	v31 =	vmul.f32 v30, v30  }
0xce: {  	v62 =	vld [tilespmem:s4+$0x10];
	v38 =	vsel vm5, v52, v38;
	v30 =	vmul.f32 v32, v32;
	v32 =	vmul.f32 v33, v33  }
0xcf: {  	v53 =	vld [tilespmem:s4+$0xFFFFFFE0];
	v33 =	vimm.f32 $+Inf;
	v45 =	vmin.f32 v2, v42;
	v36 =	vsel vm4, v48, v54  }
0xd0: {  	v49 =	vld [tilespmem:s4+$0x80];
	v63 =	vsel vm2, v45, v42;
	vm2 =	vgt.f32 v57, $0.0e+00;
	v52 =	vmin.f32 v36, v13  }
0xd1: {  	v57 =	vld [tilespmem:s4+$0xFFFFFFC0];
	v29 =	vmul.f32 v34, v34;
	v34 =	vmul.f32 v41, v41;
	v55 =	vmin.f32 v63, v10  }
0xd2: {  	v60 =	vld [tilespmem:s4+$0xFFFFFFF0];
	v37 =	vsel vm2, v40, v37;
	v40 =	vmin.f32 v38, v15;
	vm4 =	vgt.f32 v56, $0.0e+00  }
0xd3: {  	v35 =	vsel vm3, v55, v63;
	vm3 =	vgt.f32 v59, $0.0e+00;
	v59 =	vld [tilespmem:s4+$0x0];
	v61 =	vmin.f32 v37, v12  }
0xd4: {  	vm2 =	vgt.f32 v62, $0.0e+00;
	v63 =	vld [tilespmem:s4+$0x30];
	v58 =	vmin.f32 v35, v14;
	v37 =	vsel vm4, v61, v37  }
0xd5: {  	v42 =	vld [tilespmem:s4+$0x90];
	v35 =	vsel vm3, v58, v35;
	vm3 =	vgt.f32 v53, $0.0e+00;
	v55 =	vmin.f32 v37, v16  }
0xd6: {  	v54 =	vld [tilespmem:s4+$0x40];
	v62 =	vmin.f32 v35, v18;
	vm5 =	vgt.f32 v57, $0.0e+00;
	v40 =	vsel vm3, v40, v38  }
0xd7: {  	v53 =	vld [tilespmem:s4+$0x20];
	v36 =	vsel vm5, v52, v36;
	v35 =	vsel vm2, v62, v35;
	vm2 =	vgt.f32 v60, $0.0e+00  }
0xd8: {  	v58 =	vld [tilespmem:s4+$0x70];
	vm5 =	vgt.f32 v49, $0.0e+00;
	v56 =	vmin.f32 v36, v17;
	v57 =	vmin.f32 v35, v22  }
0xd9: {  	v60 =	vld [tilespmem:s4+$0x60];
	vm4 =	vgt.f32 v59, $0.0e+00;
	v59 =	vsel vm2, v55, v37;
	vm2 =	vgt.f32 v63, $0.0e+00  }
0xda: {  	v35 =	vsel vm1, v57, v35;
	v36 =	vsel vm4, v56, v36;
	vm1 =	vgt.f32 v42, $0.0e+00  }
0xdb: {  	v41 =	vld [tilespmem:s4+$0xA0];
	v61 =	vmin.f32 v59, v20;
	vm4 =	vgt.f32 v54, $0.0e+00;
	v62 =	vmin.f32 v36, v21  }
0xdc: {  	v37 =	vld [tilespmem:s4+$0xD0];
	v42 =	vmin.f32 v40, v19;
	v43 =	vsel vm2, v61, v59;
	v36 =	vsel vm4, v62, v36  }
0xdd: {  	v38 =	vld [tilespmem:s4+$0xB0];
	vm3 =	vgt.f32 v53, $0.0e+00;
	v44 =	vmin.f32 v43, v24;
	v63 =	vmin.f32 v36, v28  }
0xde: {  	s5 =	simm.s32 $0x1;
	vm4 =	vgt.f32 v58, $0.0e+00;
	vm2 =	vgt.f32 v60, $0.0e+00;
	v39 =	vsel vm5, v63, v36;
	v36 =	vld [tilespmem:s4+$0xF0]  }
.LBB2_1:
0xdf: {  	p0 =	sne.s32 s5, $0xF  }
0xe0: {  	v40 =	vsel vm3, v42, v40;
	v42 =	vsel vm4, v44, v43;
	v43 =	vld [tilespmem:s4+$0xE0];
	s4 =	sadd.s32 $0x200, s4;
	s6 =	smov.u32 s5;
	s5 =	sadd.s32 $0x1, s5  }
0xe1: {  	vm3 =	vgt.f32 v37, $0.0e+00;
	v44 =	vmin.f32 v42, v27  }
0xe2: {  	v45 =	vmin.f32 v35, v26;
	vm5 =	vgt.f32 v38, $0.0e+00;
	v37 =	vld [tilespmem:s4+$0xC0];
	vm4 =	vgt.f32 v41, $0.0e+00  }
0xe3: {  	v41 =	vmin.f32 v40, v23;
	v42 =	vsel vm5, v44, v42;
	v44 =	vmin.f32 v39, v31;
	v38 =	vld [tilespmem:s4+$0x50]  }
0xe4: {  	s6 =	sadd.s32 s6, s3;
	v40 =	vsel vm2, v41, v40;
	v39 =	vsel vm0, v44, v39;
	v41 =	vmin.f32 v42, v32;
	v46 =	vld [tilespmem:s4+$0xFFFFFF90]  }
0xe5: {  	v35 =	vsel vm1, v45, v35;
	s6 =	scvt.s32.f32 s6;
	v45 =	vmin.f32 v40, v25;
	vm0 =	vgt.f32 v36, $0.0e+00;
	v44 =	vld [tilespmem:s4+$0xFFFFFF20]  }
0xe6: {  	v40 =	vsel vm4, v45, v40;
	vm1 =	vgt.f32 v43, $0.0e+00;
	v41 =	vsel vm0, v41, v42;
	v36 =	vld [tilespmem:s4+$0xFFFFFF70]  }
0xe7: {  	v42 =	vsub.f32 s6, v0;
	v45 =	vmin.f32 v35, v29;
	v47 =	vmin.f32 v40, v30;
	v43 =	vld [tilespmem:s4+$0xFFFFFF60]  }
0xe8: {  	v49 =	vbroadcast v34, $0x0;
	v35 =	vsel vm3, v45, v35;
	v40 =	vsel vm1, v47, v40;
	v48 =	vld [tilespmem:s4+$0xFFFFFF50]  }
0xe9: {  	v34 =	vmul.f32 v42, v42;
	v35 =	vmin.f32 v39, v35;
	v39 =	vmin.f32 v40, v41;
	v42 =	vld [tilespmem:s4+$0xFFFFFF40]  }
0xea: {  	vm0 =	vgt.f32 v37, $0.0e+00;
	vm1 =	vgt.f32 v38, $0.0e+00;
	v35 =	vmin.f32 v35, v39;
	v40 =	vld [tilespmem:s4+$0xFFFFFF10]  }
0xeb: {  	vm2 =	vgt.f32 v46, $0.0e+00;
	v35 =	vadd.f32 v35, v49;
	v37 =	vld [tilespmem:s4+$0xFFFFFF00];
	vm3 =	vgt.f32 v36, $0.0e+00  }
0xec: {  	vm4 =	vgt.f32 v44, $0.0e+00;
	v36 =	vld [tilespmem:s4+$0xFFFFFF30];
	vm5 =	vgt.f32 v43, $0.0e+00;
	v38 =	vnsel vm3, $0x7F800000, v8  }
0xed: {  	vm3 =	vgt.f32 v48, $0.0e+00;
	v39 =	vnsel vm5, $0x7F800000, v7;
	v41 =	vmin.f32 v4, v38;
	v43 =	vld [tilespmem:s4+$0xFFFFFFD0]  }
0xee: {  	v33 =	vmin.f32 v33, v35;
	vm5 =	vgt.f32 v42, $0.0e+00;
	v42 =	vnsel vm3, $0x7F800000, v6;
	v44 =	vld [tilespmem:s4+$0xFFFFFF80]  }
0xef: {  	v46 =	vmin.f32 v3, v39;
	v35 =	vnsel vm5, $0x7F800000, v5;
	v45 =	vmin.f32 v2, v42;
	v47 =	vld [tilespmem:s4+$0xFFFFFFA0]  }
0xf0: {  	vm3 =	vgt.f32 v40, $0.0e+00;
	v39 =	vsel vm4, v46, v39;
	v40 =	vmin.f32 v1, v35;
	v46 =	vld [tilespmem:s4+$0x10]  }
0xf1: {  	vm4 =	vgt.f32 v37, $0.0e+00;
	v37 =	vsel vm3, v45, v42;
	v42 =	vmin.f32 v39, v11;
	v45 =	vld [tilespmem:s4+$0xFFFFFFE0]  }
0xf2: {  	vm3 =	vgt.f32 v36, $0.0e+00;
	v35 =	vsel vm4, v40, v35;
	v36 =	vmin.f32 v37, v10;
	v40 =	vld [tilespmem:s4+$0xFFFFFFB0]  }
0xf3: {  	v48 =	vmin.f32 v35, v9;
	v36 =	vsel vm2, v36, v37;
	vm2 =	vgt.f32 v43, $0.0e+00;
	v37 =	vld [tilespmem:s4+$0xFFFFFFC0]  }
0xf4: {  	vm4 =	vgt.f32 v44, $0.0e+00;
	v43 =	vmin.f32 v36, v14;
	vm5 =	vgt.f32 v47, $0.0e+00;
	v44 =	vld [tilespmem:s4+$0x0]  }
0xf5: {  	v35 =	vsel vm4, v48, v35;
	v36 =	vsel vm2, v43, v36;
	v39 =	vsel vm5, v42, v39;
	v42 =	vld [tilespmem:s4+$0xFFFFFFF0]  }
0xf6: {  	v38 =	vsel vm3, v41, v38;
	vm2 =	vgt.f32 v46, $0.0e+00;
	v41 =	vmin.f32 v39, v15;
	v43 =	vld [tilespmem:s4+$0x90]  }
0xf7: {  	v46 =	vmin.f32 v38, v12;
	vm3 =	vgt.f32 v45, $0.0e+00;
	v45 =	vmin.f32 v36, v18;
	v47 =	vld [tilespmem:s4+$0x30]  }
0xf8: {  	vm4 =	vgt.f32 v40, $0.0e+00;
	vm5 =	vgt.f32 v37, $0.0e+00;
	v37 =	vmin.f32 v35, v13;
	v48 =	vld [tilespmem:s4+$0x20]  }
0xf9: {  	v38 =	vsel vm4, v46, v38;
	v37 =	vsel vm5, v37, v35;
	v35 =	vsel vm2, v45, v36;
	v36 =	vld [tilespmem:s4+$0x40]  }
0xfa: {  	v40 =	vmin.f32 v38, v16;
	v45 =	vmin.f32 v37, v17;
	v46 =	vmin.f32 v35, v22;
	v49 =	vld [tilespmem:s4+$0x80]  }
0xfb: {  	vm4 =	vgt.f32 v44, $0.0e+00;
	vm2 =	vgt.f32 v42, $0.0e+00;
	v35 =	vsel vm1, v46, v35;
	v46 =	vld [tilespmem:s4+$0x70]  }
0xfc: {  	v44 =	vsel vm2, v40, v38;
	v45 =	vsel vm4, v45, v37;
	vm1 =	vgt.f32 v43, $0.0e+00;
	v50 =	vld [tilespmem:s4+$0x60]  }
.Ltmp0:
0xfd: {  	v40 =	vsel vm3, v41, v39;
	v39 =	vmin.f32 v44, v20;
	v41 =	vmin.f32 v45, v21;
	v37 =	vld [tilespmem:s4+$0xD0];
	(pc) =	sbr.rel @p0 .LBB2_1-.Ltmp0, $4  }
0xfe: {  	v42 =	vmin.f32 v40, v19;
	vm2 =	vgt.f32 v47, $0.0e+00;
	vm4 =	vgt.f32 v36, $0.0e+00;
	v38 =	vld [tilespmem:s4+$0xB0]  }
0xff: {  	vm3 =	vgt.f32 v48, $0.0e+00;
	v43 =	vsel vm2, v39, v44;
	v36 =	vsel vm4, v41, v45;
	v41 =	vld [tilespmem:s4+$0xA0]  }
0x100: {  	v44 =	vmin.f32 v43, v24;
	vm5 =	vgt.f32 v49, $0.0e+00;
	v39 =	vmin.f32 v36, v28  }
0x101: {  	vm4 =	vgt.f32 v46, $0.0e+00;
	vm2 =	vgt.f32 v50, $0.0e+00;
	v39 =	vsel vm5, v39, v36;
	v36 =	vld [tilespmem:s4+$0xF0]  }
0x102: {  	s31 =	simm.s32 $0x2  }
0x103: {  	v56 =	vld [tilespmem:s4+$0xE0];
	_ =	swait.ge [sflag:s31], $0x2000  }
0x104: {  	[sflag:s31] =	ssyncset.done $0x0  }
0x105: {  	v40 =	vsel vm3, v42, v40;
	v55 =	vsel vm4, v44, v43;
	s4 =	simm.s32 $0x2270;
	[sflag:s31] =	ssyncadd.s32 $0xFFFFE000  }
0x106: {  	vm3 =	vgt.f32 v37, $0.0e+00;
	v57 =	vmin.f32 v35, v26;
	v60 =	vmin.f32 v39, v31;
	v63 =	vld [tilespmem:s4+$0xFFFFFFD0]  }
0x107: {  	v44 =	vmin.f32 v55, v27;
	vm5 =	vgt.f32 v38, $0.0e+00;
	v58 =	vmin.f32 v40, v23;
	v48 =	vld [tilespmem:s4+$0xFFFFFF60]  }
0x108: {  	v39 =	vsel vm0, v60, v39;
	v35 =	vsel vm1, v57, v35;
	v38 =	vsel vm2, v58, v40;
	v50 =	vld [tilespmem:s4+$0xFFFFFEA0]  }
0x109: {  	vm4 =	vgt.f32 v41, $0.0e+00;
	v59 =	vsel vm5, v44, v55;
	v62 =	vmin.f32 v38, v25;
	v51 =	vld [tilespmem:s4+$0xFFFFFE30]  }
0x10a: {  	s3 =	sadd.s32 $0x10, s3;
	v49 =	vmin.f32 v35, v29;
	v61 =	vmin.f32 v59, v32;
	v47 =	vsel vm4, v62, v38;
	v52 =	vld [tilespmem:s4+$0xFFFFFE80]  }
0x10b: {  	s5 =	sadd.s32 $0x0, s3;
	vm0 =	vgt.f32 v36, $0.0e+00;
	v53 =	vld [tilespmem:s4+$0xFFFFFE70];
	vm1 =	vgt.f32 v56, $0.0e+00;
	v42 =	vmin.f32 v47, v30  }
0x10c: {  	s5 =	scvt.s32.f32 s5;
	v35 =	vsel vm3, v49, v35;
	v55 =	vld [tilespmem:s4+$0xFFFFFE60];
	v40 =	vsel vm0, v61, v59;
	v36 =	vsel vm1, v42, v47  }
0x10d: {  	v34 =	vbroadcast v34, $0x0;
	v35 =	vmin.f32 v39, v35;
	v56 =	vld [tilespmem:s4+$0xFFFFFE50];
	v36 =	vmin.f32 v36, v40  }
0x10e: {  	v54 =	vsub.f32 s5, v0;
	v35 =	vmin.f32 v35, v36  }
0x10f: {  	v57 =	vld [tilespmem:s4+$0xFFFFFE20];
	v34 =	vadd.f32 v35, v34;
	vm1 =	vgt.f32 v48, $0.0e+00;
	vm0 =	vgt.f32 v63, $0.0e+00  }
0x110: {  	v47 =	vld [tilespmem:s4+$0xFFFFFEB0];
	vm2 =	vgt.f32 v52, $0.0e+00;
	vm3 =	vgt.f32 v50, $0.0e+00;
	vm4 =	vgt.f32 v51, $0.0e+00  }
0x111: {  	v58 =	vld [tilespmem:s4+$0xFFFFFE10];
	vm5 =	vgt.f32 v53, $0.0e+00;
	v36 =	vnsel vm2, $0x7F800000, v8;
	vm2 =	vgt.f32 v55, $0.0e+00  }
0x112: {  	v59 =	vld [tilespmem:s4+$0xFFFFFE40];
	v60 =	vnsel vm5, $0x7F800000, v7;
	vm5 =	vgt.f32 v56, $0.0e+00;
	v33 =	vmin.f32 v33, v34  }
0x113: {  	v63 =	vld [tilespmem:s4+$0xFFFFFE90];
	v34 =	vmul.f32 v54, v54;
	v42 =	vmin.f32 v4, v36;
	v62 =	vnsel vm2, $0x7F800000, v6  }
0x114: {  	v53 =	vld [tilespmem:s4+$0xFFFFFF20];
	v51 =	vnsel vm5, $0x7F800000, v5;
	v46 =	vmin.f32 v3, v60;
	vm2 =	vgt.f32 v57, $0.0e+00  }
0x115: {  	v61 =	vld [tilespmem:s4+$0xFFFFFEE0];
	vm5 =	vgt.f32 v47, $0.0e+00;
	v45 =	vmin.f32 v2, v62;
	v52 =	vmin.f32 v1, v51  }
0x116: {  	v56 =	vld [tilespmem:s4+$0xFFFFFEF0];
	v39 =	vsel vm4, v46, v60;
	vm4 =	vgt.f32 v58, $0.0e+00;
	v54 =	vsel vm2, v45, v62  }
0x117: {  	v58 =	vld [tilespmem:s4+$0xFFFFFEC0];
	v55 =	vmin.f32 v39, v11;
	vm2 =	vgt.f32 v59, $0.0e+00;
	v35 =	vsel vm4, v52, v51  }
0x118: {  	v59 =	vld [tilespmem:s4+$0xFFFFFED0];
	v57 =	vmin.f32 v54, v10;
	v48 =	vmin.f32 v35, v9;
	vm4 =	vgt.f32 v63, $0.0e+00  }
0x119: {  	v49 =	vld [tilespmem:s4+$0xFFFFFF90];
	v39 =	vsel vm5, v55, v39;
	v36 =	vsel vm2, v42, v36;
	vm2 =	vgt.f32 v53, $0.0e+00  }
0x11a: {  	v62 =	vld [tilespmem:s4+$0xFFFFFF00];
	v37 =	vsel vm3, v57, v54;
	vm3 =	vgt.f32 v61, $0.0e+00;
	v35 =	vsel vm4, v48, v35  }
0x11b: {  	v52 =	vld [tilespmem:s4+$0xFFFFFF40];
	v41 =	vmin.f32 v39, v15;
	v50 =	vmin.f32 v36, v12;
	v60 =	vmin.f32 v37, v14  }
0x11c: {  	v61 =	vld [tilespmem:s4+$0xFFFFFF10];
	v53 =	vmin.f32 v35, v13;
	v37 =	vsel vm3, v60, v37;
	vm3 =	vgt.f32 v56, $0.0e+00  }
0x11d: {  	v63 =	vld [tilespmem:s4+$0xFFFFFFA0];
	vm4 =	vgt.f32 v58, $0.0e+00;
	v51 =	vmin.f32 v37, v18;
	vm5 =	vgt.f32 v59, $0.0e+00  }
0x11e: {  	v56 =	vld [tilespmem:s4+$0xFFFFFF50];
	v36 =	vsel vm4, v50, v36;
	v39 =	vsel vm3, v41, v39;
	v38 =	vsel vm5, v53, v35  }
0x11f: {  	v54 =	vld [tilespmem:s4+$0xFFFFFF30];
	v55 =	vsel vm2, v51, v37;
	v57 =	vmin.f32 v36, v16;
	vm2 =	vgt.f32 v62, $0.0e+00  }
0x120: {  	v60 =	vld [tilespmem:s4+$0xFFFFFF80];
	v42 =	vmin.f32 v39, v19;
	v58 =	vmin.f32 v38, v17;
	v59 =	vmin.f32 v55, v22  }
0x121: {  	v62 =	vld [tilespmem:s4+$0xFFFFFF70];
	vm4 =	vgt.f32 v61, $0.0e+00;
	v61 =	vsel vm2, v57, v36;
	vm2 =	vgt.f32 v52, $0.0e+00  }
0x122: {  	v35 =	vsel vm1, v59, v55;
	v38 =	vsel vm4, v58, v38;
	vm1 =	vgt.f32 v63, $0.0e+00  }
0x123: {  	v41 =	vld [tilespmem:s4+$0xFFFFFFB0];
	v63 =	vmin.f32 v61, v20;
	v46 =	vmin.f32 v38, v21;
	vm4 =	vgt.f32 v56, $0.0e+00  }
0x124: {  	vm5 =	vgt.f32 v49, $0.0e+00;
	v36 =	vld [tilespmem:s4+$0xFFFFFFE0];
	v43 =	vsel vm2, v63, v61;
	v38 =	vsel vm4, v46, v38  }
0x125: {  	v37 =	vld [tilespmem:s4+$0xFFFFFFC0];
	vm3 =	vgt.f32 v54, $0.0e+00;
	v44 =	vmin.f32 v43, v24;
	v46 =	vmin.f32 v38, v28  }
0x126: {  	s5 =	simm.s32 $0x1;
	vm4 =	vgt.f32 v60, $0.0e+00;
	vm2 =	vgt.f32 v62, $0.0e+00;
	v40 =	vsel vm5, v46, v38;
	v38 =	vld [tilespmem:s4+$0x0]  }
.LBB2_3:
0x127: {  	p0 =	sne.s32 s5, $0xF  }
0x128: {  	v39 =	vsel vm3, v42, v39;
	v42 =	vsel vm4, v44, v43;
	v43 =	vld [tilespmem:s4+$0xFFFFFFF0];
	s4 =	sadd.s32 $0x200, s4;
	s6 =	smov.u32 s5;
	s5 =	sadd.s32 $0x1, s5  }
0x129: {  	vm3 =	vgt.f32 v36, $0.0e+00;
	v44 =	vmin.f32 v42, v27  }
0x12a: {  	v45 =	vmin.f32 v35, v26;
	vm5 =	vgt.f32 v37, $0.0e+00;
	v36 =	vld [tilespmem:s4+$0xFFFFFFD0];
	vm4 =	vgt.f32 v41, $0.0e+00  }
0x12b: {  	v41 =	vmin.f32 v39, v23;
	v42 =	vsel vm5, v44, v42;
	v44 =	vmin.f32 v40, v31;
	v37 =	vld [tilespmem:s4+$0xFFFFFF60]  }
0x12c: {  	s6 =	sadd.s32 s6, s3;
	v39 =	vsel vm2, v41, v39;
	v40 =	vsel vm0, v44, v40;
	v41 =	vmin.f32 v42, v32;
	v46 =	vld [tilespmem:s4+$0xFFFFFEA0]  }
0x12d: {  	v35 =	vsel vm1, v45, v35;
	s6 =	scvt.s32.f32 s6;
	v45 =	vmin.f32 v39, v25;
	vm0 =	vgt.f32 v38, $0.0e+00;
	v44 =	vld [tilespmem:s4+$0xFFFFFE30]  }
0x12e: {  	v39 =	vsel vm4, v45, v39;
	vm1 =	vgt.f32 v43, $0.0e+00;
	v41 =	vsel vm0, v41, v42;
	v38 =	vld [tilespmem:s4+$0xFFFFFE80]  }
0x12f: {  	v42 =	vsub.f32 s6, v0;
	v45 =	vmin.f32 v35, v29;
	v47 =	vmin.f32 v39, v30;
	v43 =	vld [tilespmem:s4+$0xFFFFFE70]  }
0x130: {  	v49 =	vbroadcast v34, $0x0;
	v35 =	vsel vm3, v45, v35;
	v39 =	vsel vm1, v47, v39;
	v48 =	vld [tilespmem:s4+$0xFFFFFE60]  }
0x131: {  	v34 =	vmul.f32 v42, v42;
	v35 =	vmin.f32 v40, v35;
	v39 =	vmin.f32 v39, v41;
	v42 =	vld [tilespmem:s4+$0xFFFFFE50]  }
0x132: {  	vm0 =	vgt.f32 v36, $0.0e+00;
	vm1 =	vgt.f32 v37, $0.0e+00;
	v35 =	vmin.f32 v35, v39;
	v40 =	vld [tilespmem:s4+$0xFFFFFE20]  }
0x133: {  	vm2 =	vgt.f32 v46, $0.0e+00;
	v35 =	vadd.f32 v35, v49;
	v36 =	vld [tilespmem:s4+$0xFFFFFE10];
	vm3 =	vgt.f32 v38, $0.0e+00  }
0x134: {  	vm4 =	vgt.f32 v44, $0.0e+00;
	v37 =	vld [tilespmem:s4+$0xFFFFFE40];
	vm5 =	vgt.f32 v43, $0.0e+00;
	v38 =	vnsel vm3, $0x7F800000, v8  }
0x135: {  	vm3 =	vgt.f32 v48, $0.0e+00;
	v39 =	vnsel vm5, $0x7F800000, v7;
	v41 =	vmin.f32 v4, v38;
	v43 =	vld [tilespmem:s4+$0xFFFFFEE0]  }
0x136: {  	v33 =	vmin.f32 v33, v35;
	vm5 =	vgt.f32 v42, $0.0e+00;
	v42 =	vnsel vm3, $0x7F800000, v6;
	v44 =	vld [tilespmem:s4+$0xFFFFFE90]  }
0x137: {  	v46 =	vmin.f32 v3, v39;
	v35 =	vnsel vm5, $0x7F800000, v5;
	v45 =	vmin.f32 v2, v42;
	v47 =	vld [tilespmem:s4+$0xFFFFFEB0]  }
0x138: {  	vm3 =	vgt.f32 v40, $0.0e+00;
	v39 =	vsel vm4, v46, v39;
	v40 =	vmin.f32 v1, v35;
	v46 =	vld [tilespmem:s4+$0xFFFFFF20]  }
0x139: {  	vm4 =	vgt.f32 v36, $0.0e+00;
	v36 =	vsel vm3, v45, v42;
	v42 =	vmin.f32 v39, v11;
	v45 =	vld [tilespmem:s4+$0xFFFFFEF0]  }
0x13a: {  	vm3 =	vgt.f32 v37, $0.0e+00;
	v35 =	vsel vm4, v40, v35;
	v37 =	vmin.f32 v36, v10;
	v40 =	vld [tilespmem:s4+$0xFFFFFEC0]  }
0x13b: {  	v48 =	vmin.f32 v35, v9;
	v36 =	vsel vm2, v37, v36;
	vm2 =	vgt.f32 v43, $0.0e+00;
	v37 =	vld [tilespmem:s4+$0xFFFFFED0]  }
0x13c: {  	vm4 =	vgt.f32 v44, $0.0e+00;
	v43 =	vmin.f32 v36, v14;
	vm5 =	vgt.f32 v47, $0.0e+00;
	v44 =	vld [tilespmem:s4+$0xFFFFFF10]  }
0x13d: {  	v35 =	vsel vm4, v48, v35;
	v36 =	vsel vm2, v43, v36;
	v39 =	vsel vm5, v42, v39;
	v42 =	vld [tilespmem:s4+$0xFFFFFF00]  }
0x13e: {  	v38 =	vsel vm3, v41, v38;
	vm2 =	vgt.f32 v46, $0.0e+00;
	v41 =	vmin.f32 v39, v15;
	v43 =	vld [tilespmem:s4+$0xFFFFFFA0]  }
0x13f: {  	v46 =	vmin.f32 v38, v12;
	vm3 =	vgt.f32 v45, $0.0e+00;
	v45 =	vmin.f32 v36, v18;
	v47 =	vld [tilespmem:s4+$0xFFFFFF40]  }
0x140: {  	vm4 =	vgt.f32 v40, $0.0e+00;
	vm5 =	vgt.f32 v37, $0.0e+00;
	v37 =	vmin.f32 v35, v13;
	v40 =	vld [tilespmem:s4+$0xFFFFFF30]  }
0x141: {  	v38 =	vsel vm4, v46, v38;
	v37 =	vsel vm5, v37, v35;
	v35 =	vsel vm2, v45, v36;
	v45 =	vld [tilespmem:s4+$0xFFFFFF50]  }
0x142: {  	v36 =	vmin.f32 v38, v16;
	v46 =	vmin.f32 v37, v17;
	v48 =	vmin.f32 v35, v22;
	v49 =	vld [tilespmem:s4+$0xFFFFFF90]  }
0x143: {  	vm4 =	vgt.f32 v44, $0.0e+00;
	vm2 =	vgt.f32 v42, $0.0e+00;
	v35 =	vsel vm1, v48, v35;
	v48 =	vld [tilespmem:s4+$0xFFFFFF80]  }
0x144: {  	v38 =	vsel vm2, v36, v38;
	v44 =	vsel vm4, v46, v37;
	vm1 =	vgt.f32 v43, $0.0e+00;
	v46 =	vld [tilespmem:s4+$0xFFFFFF70]  }
.Ltmp1:
0x145: {  	v39 =	vsel vm3, v41, v39;
	v41 =	vmin.f32 v38, v20;
	v50 =	vmin.f32 v44, v21;
	v36 =	vld [tilespmem:s4+$0xFFFFFFE0];
	(pc) =	sbr.rel @p0 .LBB2_3-.Ltmp1, $4  }
0x146: {  	v42 =	vmin.f32 v39, v19;
	vm2 =	vgt.f32 v47, $0.0e+00;
	vm4 =	vgt.f32 v45, $0.0e+00;
	v37 =	vld [tilespmem:s4+$0xFFFFFFC0]  }
0x147: {  	vm3 =	vgt.f32 v40, $0.0e+00;
	v43 =	vsel vm2, v41, v38;
	v38 =	vsel vm4, v50, v44;
	v41 =	vld [tilespmem:s4+$0xFFFFFFB0]  }
0x148: {  	v44 =	vmin.f32 v43, v24;
	vm5 =	vgt.f32 v49, $0.0e+00;
	v40 =	vmin.f32 v38, v28  }
0x149: {  	vm4 =	vgt.f32 v48, $0.0e+00;
	vm2 =	vgt.f32 v46, $0.0e+00;
	v40 =	vsel vm5, v40, v38;
	v38 =	vld [tilespmem:s4+$0x0]  }
0x14a: {  	v0 =	vsel vm3, v42, v39;
	v1 =	vsel vm4, v44, v43  }
0x14b: {  	v2 =	vld [tilespmem:s4+$0xFFFFFFF0];
	vm12 =	vgt.f32 v36, $0.0e+00;
	v4 =	vmin.f32 v35, v26;
	v60 =	vmin.f32 v40, v31  }
0x14c: {  	v3 =	vmin.f32 v1, v27;
	vm5 =	vgt.f32 v37, $0.0e+00;
	v5 =	vmin.f32 v0, v23  }
0x14d: {  	v4 =	vsel vm1, v4, v35;
	vm13 =	vgt.f32 v41, $0.0e+00;
	v0 =	vsel vm2, v5, v0  }
0x14e: {  	v1 =	vsel vm5, v3, v1;
	v3 =	vsel vm0, v60, v40;
	v6 =	vmin.f32 v0, v25  }
0x14f: {  	v62 =	vmin.f32 v4, v29;
	v61 =	vmin.f32 v1, v32;
	v0 =	vsel vm13, v6, v0  }
0x150: {  	vm14 =	vgt.f32 v38, $0.0e+00;
	vm15 =	vgt.f32 v2, $0.0e+00;
	v6 =	vmin.f32 v0, v30  }
0x151: {  	v1 =	vsel vm14, v61, v1;
	v2 =	vsel vm12, v62, v4;
	v0 =	vsel vm15, v6, v0  }
0x152: {  	v63 =	vbroadcast v34, $0x0;
	v2 =	vmin.f32 v3, v2;
	v0 =	vmin.f32 v0, v1  }
0x153: {  	v0 =	vmin.f32 v2, v0  }
0x154: {  	v0 =	vadd.f32 v0, v63;
	_ =	sdelay $0x1  }
0x155: {  	s3 =	sshll.u32 s1, $0x4;
	s29 =	simm.s32 $0x0;
	v0 =	vmin.f32 v33, v0  }
0x156: {  	s30 =	simm.s32 $0x4080;
	s31 =	simm.s32 $0x3;
	s2 =	sadd.s32 s2, s3;
	[tilespmem:$0x4080] =	vst v0  }
0x157: {  	[hbm4b:s2+s29] =	stream.linear.scatter [tilespmem:s30], [sflag:$0x3], $0x80, $0x38;
	[tilespmem:$0x4100] =	vst v63  }
0x158: {  	_ =	swait.ge [sflag:s31], $0x80  }
0x159: {  	[sflag:s31] =	ssyncset.done $0x0  }
0x15a: {  	[sflag:s31] =	ssyncadd.s32 $0xFFFFFF80  }
0x15b: {  	_ =	sfence.sel $0x180000  }
0x15c: {  	[bflag:$0x0] =	sbarrier.arrive $0xFFFF  }
0x15d: {  	p0 =	sne.s32 s1, $0x0;
	_ =	strace $0x90000047  }
0x15e: {  	s0 =	sadd.s32 @!p0 $0x100000, s0;
	[bflag:$0x2] =	sbarrier.arrive $0xFFFF  }
0x15f: {  	[sflag:s0] =	ssyncadd.tile.s32 @!p0 $0x1;
	_ =	shalt  }
.Lfunc_end2:
_tile_overlayer_lowered:
.L_overlay_start_2:
0x160: {  	(tag) =	ssettag $0x2  }
0x161: {  	s0 =	rddreg [dreg:$0x0];
	s2 =	stileid.u32  }
0x162: {  	s1 =	rddreg [dreg:$0x1];
	p0 =	sne.s32 s2, $0x0  }
0x163: {  	s3 =	rddreg [dreg:$0x2];
	[bflag:$0x3] =	sbarrier.arrive $0xFFFF;
	s2 =	simm.s32 @!p0 $0x1C03  }
0x164: {  	[timem:s3], [sflag:s2] =	dma.local @!p0 [hbm:s0], s1  }
0x165: {  	s0 =	simm.s32 @!p0 $0x3  }
0x166: {  	_ =	swait.ge @!p0 [sflag:s0], s1  }
0x167: {  	s1 =	ssub.s32 @!p0 $0x0, s1;
	[sflag:s0] =	ssyncset.done @!p0 $0x0  }
0x168: {  	[sflag:s0] =	ssyncadd.s32 @!p0 s1  }
0x169: {  	[bflag:$0x3] =	sbarrier.arrive $0xFFFF  }
0x16a: {  	_ =	shalt  }

</sc_bundles>
